<compile_context>
chip_gen: v7x
topology: tpu7x:2x2x1
jax: 0.10.2.dev20260603
libtpu: 0.0.44.dev20260713+nightly
codegen_flags: <defaults>
</compile_context>

<pallas_src>
import functools

import jax
import jax.numpy as jnp
from jax import lax
from jax.experimental import pallas as pl
from jax.experimental.pallas import tpu as pltpu
from jax.experimental.pallas import tpu_sc as plsc

_B = 16384
_D = 128
_LANES = 16
_NC = 2
_NS = 16
_NW = _NC * _NS
_BPW = _B // _NW
_CHUNK = 128
_NCHUNK = _BPW // _CHUNK
_GROUPS = _CHUNK // _LANES


def _sc_body(uids_ref, iids_ref, uemb_ref, iemb_ref, ubias_ref, ibias_ref,
             out_ref, uidx, iidx, u0, u1, i0, i1, ub, ib, scores,
             sem0, sem1, semb):
    w = lax.axis_index("s") * _NC + lax.axis_index("c")

    pltpu.sync_copy(uids_ref.at[pl.ds(w * _NCHUNK, _NCHUNK)], uidx)
    pltpu.sync_copy(iids_ref.at[pl.ds(w * _NCHUNK, _NCHUNK)], iidx)

    bias_descs = []
    for c in range(_NCHUNK):
        sl = pl.ds(c * _CHUNK, _CHUNK)
        bias_descs.append(pltpu.async_copy(
            ubias_ref.at[uidx.at[pl.ds(c, 1)]], ub.at[:, sl], semb))
        bias_descs.append(pltpu.async_copy(
            ibias_ref.at[iidx.at[pl.ds(c, 1)]], ib.at[:, sl], semb))

    bufs = [(u0, i0, sem0), (u1, i1, sem1)]

    def issue(c):
        ubuf, ibuf, sem = bufs[c % 2]
        du = pltpu.async_copy(uemb_ref.at[uidx.at[c]], ubuf, sem)
        di = pltpu.async_copy(iemb_ref.at[iidx.at[c]], ibuf, sem)
        return du, di

    pend = [None] * _NCHUNK
    pend[0] = issue(0)
    for bd in bias_descs:
        bd.wait()

    lane = lax.iota(jnp.int32, _LANES)

    for c in range(_NCHUNK):
        du, di = pend[c]
        du.wait()
        di.wait()
        if c + 1 < _NCHUNK:
            pend[c + 1] = issue(c + 1)
        ubuf, ibuf, _ = bufs[c % 2]

        def group_body(g, _, ubuf=ubuf, ibuf=ibuf, c=c):
            def row_body(j, vec, ubuf=ubuf, ibuf=ibuf):
                r = g * _LANES + j
                p = ubuf[r, pl.ds(0, _LANES)] * ibuf[r, pl.ds(0, _LANES)]
                for k in range(1, _D // _LANES):
                    p = p + (ubuf[r, pl.ds(k * _LANES, _LANES)]
                             * ibuf[r, pl.ds(k * _LANES, _LANES)])
                t0 = (p[0] + p[1]) + (p[2] + p[3])
                t1 = (p[4] + p[5]) + (p[6] + p[7])
                t2 = (p[8] + p[9]) + (p[10] + p[11])
                t3 = (p[12] + p[13]) + (p[14] + p[15])
                s = (t0 + t1) + (t2 + t3)
                return jnp.where(lane == j, s, vec)

            vec = lax.fori_loop(0, _LANES, row_body,
                                jnp.zeros((_LANES,), jnp.float32))
            sl = pl.ds(g * _LANES, _LANES)
            bsl = pl.ds(c * _CHUNK + g * _LANES, _LANES)
            scores[c, sl] = vec + ub[0, bsl] + ib[0, bsl]
            return 0

        lax.fori_loop(0, _GROUPS, group_body, 0)

    pltpu.sync_copy(scores, out_ref.at[pl.ds(w * _NCHUNK, _NCHUNK)])


@functools.partial(
    pl.kernel,
    mesh=plsc.VectorSubcoreMesh(core_axis_name="c", subcore_axis_name="s"),
    out_type=jax.ShapeDtypeStruct((_B // _CHUNK, _CHUNK), jnp.float32),
    scratch_types=[
        pltpu.VMEM((_NCHUNK, _CHUNK), jnp.int32),
        pltpu.VMEM((_NCHUNK, _CHUNK), jnp.int32),
        pltpu.VMEM((_CHUNK, _D), jnp.float32),
        pltpu.VMEM((_CHUNK, _D), jnp.float32),
        pltpu.VMEM((_CHUNK, _D), jnp.float32),
        pltpu.VMEM((_CHUNK, _D), jnp.float32),
        pltpu.VMEM((1, _BPW), jnp.float32),
        pltpu.VMEM((1, _BPW), jnp.float32),
        pltpu.VMEM((_NCHUNK, _CHUNK), jnp.float32),
        pltpu.SemaphoreType.DMA,
        pltpu.SemaphoreType.DMA,
        pltpu.SemaphoreType.DMA,
    ],
)
def _sc_scores(uids_ref, iids_ref, uemb_ref, iemb_ref, ubias_ref, ibias_ref,
               out_ref, *rest):
    _sc_body(uids_ref, iids_ref, uemb_ref, iemb_ref, ubias_ref, ibias_ref,
             out_ref, *rest)


def kernel(user_ids, item_ids, user_emb_table, item_emb_table,
           user_bias_table, item_bias_table):
    uids2 = user_ids.astype(jnp.int32).reshape(_B // _CHUNK, _CHUNK)
    iids2 = item_ids.astype(jnp.int32).reshape(_B // _CHUNK, _CHUNK)
    out2 = _sc_scores(uids2, iids2, user_emb_table, item_emb_table,
                      user_bias_table.reshape(1, -1),
                      item_bias_table.reshape(1, -1))
    return out2.reshape(_B)

# --- scband reference (transcript-rebuilt; emitter-appended) ---
"""Pipeline reference for scband-bprmatrix-factorization-15796889715308 (READ-ONLY COPY).

The authoritative reference and input builder live on the scoring server;
editing this copy changes nothing except your own understanding.
"""

import jax, jax.numpy as jnp
import numpy as np

NUM_USERS = 100000
NUM_ITEMS = 1000000
EMB_DIM = 128
BATCH = 16384


def setup_inputs(seed: int = 0) -> dict:
    key = jax.random.key(seed)
    k_u, k_i, k_ue, k_ie = jax.random.split(key, 4)
    user_ids = jax.random.randint(k_u, (BATCH,), 0, NUM_USERS, dtype=jnp.int64 if jax.config.jax_enable_x64 else jnp.int32)
    item_ids = jax.random.randint(k_i, (BATCH,), 0, NUM_ITEMS, dtype=jnp.int64 if jax.config.jax_enable_x64 else jnp.int32)
    user_emb_table = jax.random.normal(k_ue, (NUM_USERS, EMB_DIM), dtype=jnp.float32) * 0.01
    item_emb_table = jax.random.normal(k_ie, (NUM_ITEMS, EMB_DIM), dtype=jnp.float32) * 0.01
    user_bias_table = jnp.zeros((NUM_USERS, 1), dtype=jnp.float32)
    item_bias_table = jnp.zeros((NUM_ITEMS, 1), dtype=jnp.float32)
    return {
        "user_ids": user_ids,
        "item_ids": item_ids,
        "user_emb_table": user_emb_table,
        "item_emb_table": item_emb_table,
        "user_bias_table": user_bias_table,
        "item_bias_table": item_bias_table,
    }


def reference(user_ids, item_ids, user_emb_table, item_emb_table, user_bias_table, item_bias_table):
    u_emb = jnp.take(user_emb_table, user_ids, axis=0)
    i_emb = jnp.take(item_emb_table, item_ids, axis=0)
    u_bias = jnp.take(user_bias_table, user_ids, axis=0).squeeze(-1)
    i_bias = jnp.take(item_bias_table, item_ids, axis=0).squeeze(-1)
    dot = (u_emb * i_emb).sum(axis=-1)
    scores = dot + u_bias + i_bias
    return scores

if __name__ == "__main__":
    import jax
    _d = setup_inputs()
    print(jax.jit(kernel)(*tuple(_d.values())))

</pallas_src>

<mosaic_0001>
#map = affine_map<(d0, d1) -> (0, 0)>
module attributes {stable_mosaic.version = 14 : i64} {
  func.func @_sc_scores(%arg0: i32, %arg1: i32, %arg2: memref<128x128xi32, #tpu.memory_space<hbm>>, %arg3: memref<128x128xi32, #tpu.memory_space<hbm>>, %arg4: memref<100000x128xf32, #tpu.memory_space<hbm>>, %arg5: memref<1000000x128xf32, #tpu.memory_space<hbm>>, %arg6: memref<1x100000xf32, #tpu.memory_space<hbm>>, %arg7: memref<1x1000000xf32, #tpu.memory_space<hbm>>, %arg8: memref<128x128xf32, #tpu.memory_space<hbm>>, %arg9: memref<4x128xi32, #tpu.memory_space<vmem>>, %arg10: memref<4x128xi32, #tpu.memory_space<vmem>>, %arg11: memref<128x128xf32, #tpu.memory_space<vmem>>, %arg12: memref<128x128xf32, #tpu.memory_space<vmem>>, %arg13: memref<128x128xf32, #tpu.memory_space<vmem>>, %arg14: memref<128x128xf32, #tpu.memory_space<vmem>>, %arg15: memref<1x512xf32, #tpu.memory_space<vmem>>, %arg16: memref<1x512xf32, #tpu.memory_space<vmem>>, %arg17: memref<4x128xf32, #tpu.memory_space<vmem>>, %arg18: memref<!tpu.dma_semaphore, #tpu.memory_space<semaphore_mem>>, %arg19: memref<!tpu.dma_semaphore, #tpu.memory_space<semaphore_mem>>, %arg20: memref<!tpu.dma_semaphore, #tpu.memory_space<semaphore_mem>>) attributes {dimension_semantics = [#tpu.dimension_semantics<core_parallel>, #tpu.dimension_semantics<subcore_parallel>], iteration_bounds = array<i64: 2, 16>, scalar_prefetch = 0 : i64, scratch_operands = 12 : i64, tpu.core_type = #tpu.core_type<sc_vector_subcore>, window_params = [{transform_indices = #map}, {transform_indices = #map}, {transform_indices = #map}, {transform_indices = #map}, {transform_indices = #map}, {transform_indices = #map}, {transform_indices = #map}]} {
    %mul3A = arith.constant 2 : i32
    %mul3A_0 = arith.muli %arg1, %mul3A : i32
    %add3A = arith.addi %mul3A_0, %arg0 : i32
    %mul3A_1 = arith.constant 4 : i32
    %mul3A_2 = arith.muli %add3A, %mul3A_1 : i32
    "tpu.region"() ({
      %run_scoped3A = tpu.sem_alloc : memref<!tpu.dma_semaphore, #tpu.memory_space<semaphore_mem>>
      %dma_start3A_288 = arith.constant 0 : i32
      %dma_start3A_289 = tpu.memref_slice %arg2[%mul3A_2, %dma_start3A_288] : memref<128x128xi32, #tpu.memory_space<hbm>> -> memref<4x128xi32, #tpu.memory_space<hbm>>
      %dma_start3A_290 = arith.constant 0 : i32
      %dma_start3A_291 = tpu.memref_slice %arg2[%mul3A_2, %dma_start3A_290] : memref<128x128xi32, #tpu.memory_space<hbm>> -> memref<4x128xi32, #tpu.memory_space<hbm>>
      tpu.enqueue_dma source(%dma_start3A_291 : memref<4x128xi32, #tpu.memory_space<hbm>>) target(%arg9 : memref<4x128xi32, #tpu.memory_space<vmem>>) target_semaphore(%run_scoped3A : memref<!tpu.dma_semaphore, #tpu.memory_space<semaphore_mem>>)
      %dma_wait3A_292 = arith.constant 0 : i32
      %dma_wait3A_293 = tpu.memref_slice %arg2[%mul3A_2, %dma_wait3A_292] : memref<128x128xi32, #tpu.memory_space<hbm>> -> memref<4x128xi32, #tpu.memory_space<hbm>>
      %dma_wait3A_294 = arith.constant 0 : i32
      %dma_wait3A_295 = tpu.memref_slice %arg2[%mul3A_2, %dma_wait3A_294] : memref<128x128xi32, #tpu.memory_space<hbm>> -> memref<4x128xi32, #tpu.memory_space<hbm>>
      tpu.wait_dma2 semaphore(%run_scoped3A : memref<!tpu.dma_semaphore, #tpu.memory_space<semaphore_mem>>) src(%dma_wait3A_295 : memref<4x128xi32, #tpu.memory_space<hbm>>) dst(%arg9 : memref<4x128xi32, #tpu.memory_space<vmem>>)
      tpu.yield
    }) : () -> ()
    %mul3A_3 = arith.constant 4 : i32
    %mul3A_4 = arith.muli %add3A, %mul3A_3 : i32
    "tpu.region"() ({
      %run_scoped3A = tpu.sem_alloc : memref<!tpu.dma_semaphore, #tpu.memory_space<semaphore_mem>>
      %dma_start3A_288 = arith.constant 0 : i32
      %dma_start3A_289 = tpu.memref_slice %arg3[%mul3A_4, %dma_start3A_288] : memref<128x128xi32, #tpu.memory_space<hbm>> -> memref<4x128xi32, #tpu.memory_space<hbm>>
      %dma_start3A_290 = arith.constant 0 : i32
      %dma_start3A_291 = tpu.memref_slice %arg3[%mul3A_4, %dma_start3A_290] : memref<128x128xi32, #tpu.memory_space<hbm>> -> memref<4x128xi32, #tpu.memory_space<hbm>>
      tpu.enqueue_dma source(%dma_start3A_291 : memref<4x128xi32, #tpu.memory_space<hbm>>) target(%arg10 : memref<4x128xi32, #tpu.memory_space<vmem>>) target_semaphore(%run_scoped3A : memref<!tpu.dma_semaphore, #tpu.memory_space<semaphore_mem>>)
      %dma_wait3A_292 = arith.constant 0 : i32
      %dma_wait3A_293 = tpu.memref_slice %arg3[%mul3A_4, %dma_wait3A_292] : memref<128x128xi32, #tpu.memory_space<hbm>> -> memref<4x128xi32, #tpu.memory_space<hbm>>
      %dma_wait3A_294 = arith.constant 0 : i32
      %dma_wait3A_295 = tpu.memref_slice %arg3[%mul3A_4, %dma_wait3A_294] : memref<128x128xi32, #tpu.memory_space<hbm>> -> memref<4x128xi32, #tpu.memory_space<hbm>>
      tpu.wait_dma2 semaphore(%run_scoped3A : memref<!tpu.dma_semaphore, #tpu.memory_space<semaphore_mem>>) src(%dma_wait3A_295 : memref<4x128xi32, #tpu.memory_space<hbm>>) dst(%arg10 : memref<4x128xi32, #tpu.memory_space<vmem>>)
      tpu.yield
    }) : () -> ()
    %dma_start3A = arith.constant 0 : i32
    %dma_start3A_5 = arith.constant 0 : i32
    %dma_start3A_6 = tpu.memref_slice %arg15[%dma_start3A, %dma_start3A_5] : memref<1x512xf32, #tpu.memory_space<vmem>> -> memref<1x128xf32, #tpu.memory_space<vmem>>
    %dma_start3A_7 = arith.constant 0 : i32
    %dma_start3A_8 = arith.constant 0 : i32
    %dma_start3A_9 = tpu.memref_slice %arg9[%dma_start3A_7, %dma_start3A_8] : memref<4x128xi32, #tpu.memory_space<vmem>> -> memref<1x128xi32, #tpu.memory_space<vmem>>
    %dma_start3A_10 = arith.constant 0 : i32
    %dma_start3A_11 = arith.constant 0 : i32
    %dma_start3A_12 = tpu.memref_slice %arg6[%dma_start3A_10, %dma_start3A_11] : memref<1x100000xf32, #tpu.memory_space<hbm>> -> memref<1x100000xf32, #tpu.memory_space<hbm>>
    tpu.enqueue_indirect_dma source(%dma_start3A_12 : memref<1x100000xf32, #tpu.memory_space<hbm>>) target(%dma_start3A_6 : memref<1x128xf32, #tpu.memory_space<vmem>>) offsets(%dma_start3A_9 : memref<1x128xi32, #tpu.memory_space<vmem>>) semaphore(%arg20 : memref<!tpu.dma_semaphore, #tpu.memory_space<semaphore_mem>>)
    %dma_start3A_13 = arith.constant 0 : i32
    %dma_start3A_14 = arith.constant 0 : i32
    %dma_start3A_15 = tpu.memref_slice %arg16[%dma_start3A_13, %dma_start3A_14] : memref<1x512xf32, #tpu.memory_space<vmem>> -> memref<1x128xf32, #tpu.memory_space<vmem>>
    %dma_start3A_16 = arith.constant 0 : i32
    %dma_start3A_17 = arith.constant 0 : i32
    %dma_start3A_18 = tpu.memref_slice %arg10[%dma_start3A_16, %dma_start3A_17] : memref<4x128xi32, #tpu.memory_space<vmem>> -> memref<1x128xi32, #tpu.memory_space<vmem>>
    %dma_start3A_19 = arith.constant 0 : i32
    %dma_start3A_20 = arith.constant 0 : i32
    %dma_start3A_21 = tpu.memref_slice %arg7[%dma_start3A_19, %dma_start3A_20] : memref<1x1000000xf32, #tpu.memory_space<hbm>> -> memref<1x1000000xf32, #tpu.memory_space<hbm>>
    tpu.enqueue_indirect_dma source(%dma_start3A_21 : memref<1x1000000xf32, #tpu.memory_space<hbm>>) target(%dma_start3A_15 : memref<1x128xf32, #tpu.memory_space<vmem>>) offsets(%dma_start3A_18 : memref<1x128xi32, #tpu.memory_space<vmem>>) semaphore(%arg20 : memref<!tpu.dma_semaphore, #tpu.memory_space<semaphore_mem>>)
    %dma_start3A_22 = arith.constant 0 : i32
    %dma_start3A_23 = arith.constant 128 : i32
    %dma_start3A_24 = tpu.memref_slice %arg15[%dma_start3A_22, %dma_start3A_23] : memref<1x512xf32, #tpu.memory_space<vmem>> -> memref<1x128xf32, #tpu.memory_space<vmem>>
    %dma_start3A_25 = arith.constant 1 : i32
    %dma_start3A_26 = arith.constant 0 : i32
    %dma_start3A_27 = tpu.memref_slice %arg9[%dma_start3A_25, %dma_start3A_26] : memref<4x128xi32, #tpu.memory_space<vmem>> -> memref<1x128xi32, #tpu.memory_space<vmem>>
    %dma_start3A_28 = arith.constant 0 : i32
    %dma_start3A_29 = arith.constant 0 : i32
    %dma_start3A_30 = tpu.memref_slice %arg6[%dma_start3A_28, %dma_start3A_29] : memref<1x100000xf32, #tpu.memory_space<hbm>> -> memref<1x100000xf32, #tpu.memory_space<hbm>>
    tpu.enqueue_indirect_dma source(%dma_start3A_30 : memref<1x100000xf32, #tpu.memory_space<hbm>>) target(%dma_start3A_24 : memref<1x128xf32, #tpu.memory_space<vmem>>) offsets(%dma_start3A_27 : memref<1x128xi32, #tpu.memory_space<vmem>>) semaphore(%arg20 : memref<!tpu.dma_semaphore, #tpu.memory_space<semaphore_mem>>)
    %dma_start3A_31 = arith.constant 0 : i32
    %dma_start3A_32 = arith.constant 128 : i32
    %dma_start3A_33 = tpu.memref_slice %arg16[%dma_start3A_31, %dma_start3A_32] : memref<1x512xf32, #tpu.memory_space<vmem>> -> memref<1x128xf32, #tpu.memory_space<vmem>>
    %dma_start3A_34 = arith.constant 1 : i32
    %dma_start3A_35 = arith.constant 0 : i32
    %dma_start3A_36 = tpu.memref_slice %arg10[%dma_start3A_34, %dma_start3A_35] : memref<4x128xi32, #tpu.memory_space<vmem>> -> memref<1x128xi32, #tpu.memory_space<vmem>>
    %dma_start3A_37 = arith.constant 0 : i32
    %dma_start3A_38 = arith.constant 0 : i32
    %dma_start3A_39 = tpu.memref_slice %arg7[%dma_start3A_37, %dma_start3A_38] : memref<1x1000000xf32, #tpu.memory_space<hbm>> -> memref<1x1000000xf32, #tpu.memory_space<hbm>>
    tpu.enqueue_indirect_dma source(%dma_start3A_39 : memref<1x1000000xf32, #tpu.memory_space<hbm>>) target(%dma_start3A_33 : memref<1x128xf32, #tpu.memory_space<vmem>>) offsets(%dma_start3A_36 : memref<1x128xi32, #tpu.memory_space<vmem>>) semaphore(%arg20 : memref<!tpu.dma_semaphore, #tpu.memory_space<semaphore_mem>>)
    %dma_start3A_40 = arith.constant 0 : i32
    %dma_start3A_41 = arith.constant 256 : i32
    %dma_start3A_42 = tpu.memref_slice %arg15[%dma_start3A_40, %dma_start3A_41] : memref<1x512xf32, #tpu.memory_space<vmem>> -> memref<1x128xf32, #tpu.memory_space<vmem>>
    %dma_start3A_43 = arith.constant 2 : i32
    %dma_start3A_44 = arith.constant 0 : i32
    %dma_start3A_45 = tpu.memref_slice %arg9[%dma_start3A_43, %dma_start3A_44] : memref<4x128xi32, #tpu.memory_space<vmem>> -> memref<1x128xi32, #tpu.memory_space<vmem>>
    %dma_start3A_46 = arith.constant 0 : i32
    %dma_start3A_47 = arith.constant 0 : i32
    %dma_start3A_48 = tpu.memref_slice %arg6[%dma_start3A_46, %dma_start3A_47] : memref<1x100000xf32, #tpu.memory_space<hbm>> -> memref<1x100000xf32, #tpu.memory_space<hbm>>
    tpu.enqueue_indirect_dma source(%dma_start3A_48 : memref<1x100000xf32, #tpu.memory_space<hbm>>) target(%dma_start3A_42 : memref<1x128xf32, #tpu.memory_space<vmem>>) offsets(%dma_start3A_45 : memref<1x128xi32, #tpu.memory_space<vmem>>) semaphore(%arg20 : memref<!tpu.dma_semaphore, #tpu.memory_space<semaphore_mem>>)
    %dma_start3A_49 = arith.constant 0 : i32
    %dma_start3A_50 = arith.constant 256 : i32
    %dma_start3A_51 = tpu.memref_slice %arg16[%dma_start3A_49, %dma_start3A_50] : memref<1x512xf32, #tpu.memory_space<vmem>> -> memref<1x128xf32, #tpu.memory_space<vmem>>
    %dma_start3A_52 = arith.constant 2 : i32
    %dma_start3A_53 = arith.constant 0 : i32
    %dma_start3A_54 = tpu.memref_slice %arg10[%dma_start3A_52, %dma_start3A_53] : memref<4x128xi32, #tpu.memory_space<vmem>> -> memref<1x128xi32, #tpu.memory_space<vmem>>
    %dma_start3A_55 = arith.constant 0 : i32
    %dma_start3A_56 = arith.constant 0 : i32
    %dma_start3A_57 = tpu.memref_slice %arg7[%dma_start3A_55, %dma_start3A_56] : memref<1x1000000xf32, #tpu.memory_space<hbm>> -> memref<1x1000000xf32, #tpu.memory_space<hbm>>
    tpu.enqueue_indirect_dma source(%dma_start3A_57 : memref<1x1000000xf32, #tpu.memory_space<hbm>>) target(%dma_start3A_51 : memref<1x128xf32, #tpu.memory_space<vmem>>) offsets(%dma_start3A_54 : memref<1x128xi32, #tpu.memory_space<vmem>>) semaphore(%arg20 : memref<!tpu.dma_semaphore, #tpu.memory_space<semaphore_mem>>)
    %dma_start3A_58 = arith.constant 0 : i32
    %dma_start3A_59 = arith.constant 384 : i32
    %dma_start3A_60 = tpu.memref_slice %arg15[%dma_start3A_58, %dma_start3A_59] : memref<1x512xf32, #tpu.memory_space<vmem>> -> memref<1x128xf32, #tpu.memory_space<vmem>>
    %dma_start3A_61 = arith.constant 3 : i32
    %dma_start3A_62 = arith.constant 0 : i32
    %dma_start3A_63 = tpu.memref_slice %arg9[%dma_start3A_61, %dma_start3A_62] : memref<4x128xi32, #tpu.memory_space<vmem>> -> memref<1x128xi32, #tpu.memory_space<vmem>>
    %dma_start3A_64 = arith.constant 0 : i32
    %dma_start3A_65 = arith.constant 0 : i32
    %dma_start3A_66 = tpu.memref_slice %arg6[%dma_start3A_64, %dma_start3A_65] : memref<1x100000xf32, #tpu.memory_space<hbm>> -> memref<1x100000xf32, #tpu.memory_space<hbm>>
    tpu.enqueue_indirect_dma source(%dma_start3A_66 : memref<1x100000xf32, #tpu.memory_space<hbm>>) target(%dma_start3A_60 : memref<1x128xf32, #tpu.memory_space<vmem>>) offsets(%dma_start3A_63 : memref<1x128xi32, #tpu.memory_space<vmem>>) semaphore(%arg20 : memref<!tpu.dma_semaphore, #tpu.memory_space<semaphore_mem>>)
    %dma_start3A_67 = arith.constant 0 : i32
    %dma_start3A_68 = arith.constant 384 : i32
    %dma_start3A_69 = tpu.memref_slice %arg16[%dma_start3A_67, %dma_start3A_68] : memref<1x512xf32, #tpu.memory_space<vmem>> -> memref<1x128xf32, #tpu.memory_space<vmem>>
    %dma_start3A_70 = arith.constant 3 : i32
    %dma_start3A_71 = arith.constant 0 : i32
    %dma_start3A_72 = tpu.memref_slice %arg10[%dma_start3A_70, %dma_start3A_71] : memref<4x128xi32, #tpu.memory_space<vmem>> -> memref<1x128xi32, #tpu.memory_space<vmem>>
    %dma_start3A_73 = arith.constant 0 : i32
    %dma_start3A_74 = arith.constant 0 : i32
    %dma_start3A_75 = tpu.memref_slice %arg7[%dma_start3A_73, %dma_start3A_74] : memref<1x1000000xf32, #tpu.memory_space<hbm>> -> memref<1x1000000xf32, #tpu.memory_space<hbm>>
    tpu.enqueue_indirect_dma source(%dma_start3A_75 : memref<1x1000000xf32, #tpu.memory_space<hbm>>) target(%dma_start3A_69 : memref<1x128xf32, #tpu.memory_space<vmem>>) offsets(%dma_start3A_72 : memref<1x128xi32, #tpu.memory_space<vmem>>) semaphore(%arg20 : memref<!tpu.dma_semaphore, #tpu.memory_space<semaphore_mem>>)
    %dma_start3A_76 = arith.constant 0 : i32
    %dma_start3A_77 = arith.constant 0 : i32
    %dma_start3A_78 = tpu.memref_slice %arg9[%dma_start3A_76, %dma_start3A_77] : memref<4x128xi32, #tpu.memory_space<vmem>> -> memref<1x128xi32, #tpu.memory_space<vmem>>
    %dma_start3A_79 = tpu.memref_squeeze %dma_start3A_78 : memref<1x128xi32, #tpu.memory_space<vmem>> -> memref<128xi32, #tpu.memory_space<vmem>>
    %dma_start3A_80 = arith.constant 0 : i32
    %dma_start3A_81 = arith.constant 0 : i32
    %dma_start3A_82 = tpu.memref_slice %arg4[%dma_start3A_80, %dma_start3A_81] : memref<100000x128xf32, #tpu.memory_space<hbm>> -> memref<100000x128xf32, #tpu.memory_space<hbm>>
    tpu.enqueue_indirect_dma source(%dma_start3A_82 : memref<100000x128xf32, #tpu.memory_space<hbm>>) target(%arg11 : memref<128x128xf32, #tpu.memory_space<vmem>>) offsets(%dma_start3A_79 : memref<128xi32, #tpu.memory_space<vmem>>) semaphore(%arg18 : memref<!tpu.dma_semaphore, #tpu.memory_space<semaphore_mem>>)
    %dma_start3A_83 = arith.constant 0 : i32
    %dma_start3A_84 = arith.constant 0 : i32
    %dma_start3A_85 = tpu.memref_slice %arg10[%dma_start3A_83, %dma_start3A_84] : memref<4x128xi32, #tpu.memory_space<vmem>> -> memref<1x128xi32, #tpu.memory_space<vmem>>
    %dma_start3A_86 = tpu.memref_squeeze %dma_start3A_85 : memref<1x128xi32, #tpu.memory_space<vmem>> -> memref<128xi32, #tpu.memory_space<vmem>>
    %dma_start3A_87 = arith.constant 0 : i32
    %dma_start3A_88 = arith.constant 0 : i32
    %dma_start3A_89 = tpu.memref_slice %arg5[%dma_start3A_87, %dma_start3A_88] : memref<1000000x128xf32, #tpu.memory_space<hbm>> -> memref<1000000x128xf32, #tpu.memory_space<hbm>>
    tpu.enqueue_indirect_dma source(%dma_start3A_89 : memref<1000000x128xf32, #tpu.memory_space<hbm>>) target(%arg13 : memref<128x128xf32, #tpu.memory_space<vmem>>) offsets(%dma_start3A_86 : memref<128xi32, #tpu.memory_space<vmem>>) semaphore(%arg18 : memref<!tpu.dma_semaphore, #tpu.memory_space<semaphore_mem>>)
    %dma_wait3A = arith.constant 0 : i32
    %dma_wait3A_90 = arith.constant 0 : i32
    %dma_wait3A_91 = tpu.memref_slice %arg15[%dma_wait3A, %dma_wait3A_90] : memref<1x512xf32, #tpu.memory_space<vmem>> -> memref<1x128xf32, #tpu.memory_space<vmem>>
    %dma_wait3A_92 = arith.constant 0 : i32
    %dma_wait3A_93 = arith.constant 0 : i32
    %dma_wait3A_94 = tpu.memref_slice %arg9[%dma_wait3A_92, %dma_wait3A_93] : memref<4x128xi32, #tpu.memory_space<vmem>> -> memref<1x128xi32, #tpu.memory_space<vmem>>
    %dma_wait3A_95 = arith.constant 0 : i32
    %dma_wait3A_96 = arith.constant 0 : i32
    %dma_wait3A_97 = tpu.memref_slice %arg6[%dma_wait3A_95, %dma_wait3A_96] : memref<1x100000xf32, #tpu.memory_space<hbm>> -> memref<1x100000xf32, #tpu.memory_space<hbm>>
    tpu.wait_indirect_dma semaphore(%arg20 : memref<!tpu.dma_semaphore, #tpu.memory_space<semaphore_mem>>) src(%dma_wait3A_97 : memref<1x100000xf32, #tpu.memory_space<hbm>>) dst(%dma_wait3A_91 : memref<1x128xf32, #tpu.memory_space<vmem>>)
    %dma_wait3A_98 = arith.constant 0 : i32
    %dma_wait3A_99 = arith.constant 0 : i32
    %dma_wait3A_100 = tpu.memref_slice %arg16[%dma_wait3A_98, %dma_wait3A_99] : memref<1x512xf32, #tpu.memory_space<vmem>> -> memref<1x128xf32, #tpu.memory_space<vmem>>
    %dma_wait3A_101 = arith.constant 0 : i32
    %dma_wait3A_102 = arith.constant 0 : i32
    %dma_wait3A_103 = tpu.memref_slice %arg10[%dma_wait3A_101, %dma_wait3A_102] : memref<4x128xi32, #tpu.memory_space<vmem>> -> memref<1x128xi32, #tpu.memory_space<vmem>>
    %dma_wait3A_104 = arith.constant 0 : i32
    %dma_wait3A_105 = arith.constant 0 : i32
    %dma_wait3A_106 = tpu.memref_slice %arg7[%dma_wait3A_104, %dma_wait3A_105] : memref<1x1000000xf32, #tpu.memory_space<hbm>> -> memref<1x1000000xf32, #tpu.memory_space<hbm>>
    tpu.wait_indirect_dma semaphore(%arg20 : memref<!tpu.dma_semaphore, #tpu.memory_space<semaphore_mem>>) src(%dma_wait3A_106 : memref<1x1000000xf32, #tpu.memory_space<hbm>>) dst(%dma_wait3A_100 : memref<1x128xf32, #tpu.memory_space<vmem>>)
    %dma_wait3A_107 = arith.constant 0 : i32
    %dma_wait3A_108 = arith.constant 128 : i32
    %dma_wait3A_109 = tpu.memref_slice %arg15[%dma_wait3A_107, %dma_wait3A_108] : memref<1x512xf32, #tpu.memory_space<vmem>> -> memref<1x128xf32, #tpu.memory_space<vmem>>
    %dma_wait3A_110 = arith.constant 1 : i32
    %dma_wait3A_111 = arith.constant 0 : i32
    %dma_wait3A_112 = tpu.memref_slice %arg9[%dma_wait3A_110, %dma_wait3A_111] : memref<4x128xi32, #tpu.memory_space<vmem>> -> memref<1x128xi32, #tpu.memory_space<vmem>>
    %dma_wait3A_113 = arith.constant 0 : i32
    %dma_wait3A_114 = arith.constant 0 : i32
    %dma_wait3A_115 = tpu.memref_slice %arg6[%dma_wait3A_113, %dma_wait3A_114] : memref<1x100000xf32, #tpu.memory_space<hbm>> -> memref<1x100000xf32, #tpu.memory_space<hbm>>
    tpu.wait_indirect_dma semaphore(%arg20 : memref<!tpu.dma_semaphore, #tpu.memory_space<semaphore_mem>>) src(%dma_wait3A_115 : memref<1x100000xf32, #tpu.memory_space<hbm>>) dst(%dma_wait3A_109 : memref<1x128xf32, #tpu.memory_space<vmem>>)
    %dma_wait3A_116 = arith.constant 0 : i32
    %dma_wait3A_117 = arith.constant 128 : i32
    %dma_wait3A_118 = tpu.memref_slice %arg16[%dma_wait3A_116, %dma_wait3A_117] : memref<1x512xf32, #tpu.memory_space<vmem>> -> memref<1x128xf32, #tpu.memory_space<vmem>>
    %dma_wait3A_119 = arith.constant 1 : i32
    %dma_wait3A_120 = arith.constant 0 : i32
    %dma_wait3A_121 = tpu.memref_slice %arg10[%dma_wait3A_119, %dma_wait3A_120] : memref<4x128xi32, #tpu.memory_space<vmem>> -> memref<1x128xi32, #tpu.memory_space<vmem>>
    %dma_wait3A_122 = arith.constant 0 : i32
    %dma_wait3A_123 = arith.constant 0 : i32
    %dma_wait3A_124 = tpu.memref_slice %arg7[%dma_wait3A_122, %dma_wait3A_123] : memref<1x1000000xf32, #tpu.memory_space<hbm>> -> memref<1x1000000xf32, #tpu.memory_space<hbm>>
    tpu.wait_indirect_dma semaphore(%arg20 : memref<!tpu.dma_semaphore, #tpu.memory_space<semaphore_mem>>) src(%dma_wait3A_124 : memref<1x1000000xf32, #tpu.memory_space<hbm>>) dst(%dma_wait3A_118 : memref<1x128xf32, #tpu.memory_space<vmem>>)
    %dma_wait3A_125 = arith.constant 0 : i32
    %dma_wait3A_126 = arith.constant 256 : i32
    %dma_wait3A_127 = tpu.memref_slice %arg15[%dma_wait3A_125, %dma_wait3A_126] : memref<1x512xf32, #tpu.memory_space<vmem>> -> memref<1x128xf32, #tpu.memory_space<vmem>>
    %dma_wait3A_128 = arith.constant 2 : i32
    %dma_wait3A_129 = arith.constant 0 : i32
    %dma_wait3A_130 = tpu.memref_slice %arg9[%dma_wait3A_128, %dma_wait3A_129] : memref<4x128xi32, #tpu.memory_space<vmem>> -> memref<1x128xi32, #tpu.memory_space<vmem>>
    %dma_wait3A_131 = arith.constant 0 : i32
    %dma_wait3A_132 = arith.constant 0 : i32
    %dma_wait3A_133 = tpu.memref_slice %arg6[%dma_wait3A_131, %dma_wait3A_132] : memref<1x100000xf32, #tpu.memory_space<hbm>> -> memref<1x100000xf32, #tpu.memory_space<hbm>>
    tpu.wait_indirect_dma semaphore(%arg20 : memref<!tpu.dma_semaphore, #tpu.memory_space<semaphore_mem>>) src(%dma_wait3A_133 : memref<1x100000xf32, #tpu.memory_space<hbm>>) dst(%dma_wait3A_127 : memref<1x128xf32, #tpu.memory_space<vmem>>)
    %dma_wait3A_134 = arith.constant 0 : i32
    %dma_wait3A_135 = arith.constant 256 : i32
    %dma_wait3A_136 = tpu.memref_slice %arg16[%dma_wait3A_134, %dma_wait3A_135] : memref<1x512xf32, #tpu.memory_space<vmem>> -> memref<1x128xf32, #tpu.memory_space<vmem>>
    %dma_wait3A_137 = arith.constant 2 : i32
    %dma_wait3A_138 = arith.constant 0 : i32
    %dma_wait3A_139 = tpu.memref_slice %arg10[%dma_wait3A_137, %dma_wait3A_138] : memref<4x128xi32, #tpu.memory_space<vmem>> -> memref<1x128xi32, #tpu.memory_space<vmem>>
    %dma_wait3A_140 = arith.constant 0 : i32
    %dma_wait3A_141 = arith.constant 0 : i32
    %dma_wait3A_142 = tpu.memref_slice %arg7[%dma_wait3A_140, %dma_wait3A_141] : memref<1x1000000xf32, #tpu.memory_space<hbm>> -> memref<1x1000000xf32, #tpu.memory_space<hbm>>
    tpu.wait_indirect_dma semaphore(%arg20 : memref<!tpu.dma_semaphore, #tpu.memory_space<semaphore_mem>>) src(%dma_wait3A_142 : memref<1x1000000xf32, #tpu.memory_space<hbm>>) dst(%dma_wait3A_136 : memref<1x128xf32, #tpu.memory_space<vmem>>)
    %dma_wait3A_143 = arith.constant 0 : i32
    %dma_wait3A_144 = arith.constant 384 : i32
    %dma_wait3A_145 = tpu.memref_slice %arg15[%dma_wait3A_143, %dma_wait3A_144] : memref<1x512xf32, #tpu.memory_space<vmem>> -> memref<1x128xf32, #tpu.memory_space<vmem>>
    %dma_wait3A_146 = arith.constant 3 : i32
    %dma_wait3A_147 = arith.constant 0 : i32
    %dma_wait3A_148 = tpu.memref_slice %arg9[%dma_wait3A_146, %dma_wait3A_147] : memref<4x128xi32, #tpu.memory_space<vmem>> -> memref<1x128xi32, #tpu.memory_space<vmem>>
    %dma_wait3A_149 = arith.constant 0 : i32
    %dma_wait3A_150 = arith.constant 0 : i32
    %dma_wait3A_151 = tpu.memref_slice %arg6[%dma_wait3A_149, %dma_wait3A_150] : memref<1x100000xf32, #tpu.memory_space<hbm>> -> memref<1x100000xf32, #tpu.memory_space<hbm>>
    tpu.wait_indirect_dma semaphore(%arg20 : memref<!tpu.dma_semaphore, #tpu.memory_space<semaphore_mem>>) src(%dma_wait3A_151 : memref<1x100000xf32, #tpu.memory_space<hbm>>) dst(%dma_wait3A_145 : memref<1x128xf32, #tpu.memory_space<vmem>>)
    %dma_wait3A_152 = arith.constant 0 : i32
    %dma_wait3A_153 = arith.constant 384 : i32
    %dma_wait3A_154 = tpu.memref_slice %arg16[%dma_wait3A_152, %dma_wait3A_153] : memref<1x512xf32, #tpu.memory_space<vmem>> -> memref<1x128xf32, #tpu.memory_space<vmem>>
    %dma_wait3A_155 = arith.constant 3 : i32
    %dma_wait3A_156 = arith.constant 0 : i32
    %dma_wait3A_157 = tpu.memref_slice %arg10[%dma_wait3A_155, %dma_wait3A_156] : memref<4x128xi32, #tpu.memory_space<vmem>> -> memref<1x128xi32, #tpu.memory_space<vmem>>
    %dma_wait3A_158 = arith.constant 0 : i32
    %dma_wait3A_159 = arith.constant 0 : i32
    %dma_wait3A_160 = tpu.memref_slice %arg7[%dma_wait3A_158, %dma_wait3A_159] : memref<1x1000000xf32, #tpu.memory_space<hbm>> -> memref<1x1000000xf32, #tpu.memory_space<hbm>>
    tpu.wait_indirect_dma semaphore(%arg20 : memref<!tpu.dma_semaphore, #tpu.memory_space<semaphore_mem>>) src(%dma_wait3A_160 : memref<1x1000000xf32, #tpu.memory_space<hbm>>) dst(%dma_wait3A_154 : memref<1x128xf32, #tpu.memory_space<vmem>>)
    %iota3A = tpu.iota {dimensions = array<i32: 0>} : vector<16xi32>
    %dma_wait3A_161 = arith.constant 0 : i32
    %dma_wait3A_162 = arith.constant 0 : i32
    %dma_wait3A_163 = tpu.memref_slice %arg9[%dma_wait3A_161, %dma_wait3A_162] : memref<4x128xi32, #tpu.memory_space<vmem>> -> memref<1x128xi32, #tpu.memory_space<vmem>>
    %dma_wait3A_164 = tpu.memref_squeeze %dma_wait3A_163 : memref<1x128xi32, #tpu.memory_space<vmem>> -> memref<128xi32, #tpu.memory_space<vmem>>
    %dma_wait3A_165 = arith.constant 0 : i32
    %dma_wait3A_166 = arith.constant 0 : i32
    %dma_wait3A_167 = tpu.memref_slice %arg4[%dma_wait3A_165, %dma_wait3A_166] : memref<100000x128xf32, #tpu.memory_space<hbm>> -> memref<100000x128xf32, #tpu.memory_space<hbm>>
    tpu.wait_indirect_dma semaphore(%arg18 : memref<!tpu.dma_semaphore, #tpu.memory_space<semaphore_mem>>) src(%dma_wait3A_167 : memref<100000x128xf32, #tpu.memory_space<hbm>>) dst(%arg11 : memref<128x128xf32, #tpu.memory_space<vmem>>)
    %dma_wait3A_168 = arith.constant 0 : i32
    %dma_wait3A_169 = arith.constant 0 : i32
    %dma_wait3A_170 = tpu.memref_slice %arg10[%dma_wait3A_168, %dma_wait3A_169] : memref<4x128xi32, #tpu.memory_space<vmem>> -> memref<1x128xi32, #tpu.memory_space<vmem>>
    %dma_wait3A_171 = tpu.memref_squeeze %dma_wait3A_170 : memref<1x128xi32, #tpu.memory_space<vmem>> -> memref<128xi32, #tpu.memory_space<vmem>>
    %dma_wait3A_172 = arith.constant 0 : i32
    %dma_wait3A_173 = arith.constant 0 : i32
    %dma_wait3A_174 = tpu.memref_slice %arg5[%dma_wait3A_172, %dma_wait3A_173] : memref<1000000x128xf32, #tpu.memory_space<hbm>> -> memref<1000000x128xf32, #tpu.memory_space<hbm>>
    tpu.wait_indirect_dma semaphore(%arg18 : memref<!tpu.dma_semaphore, #tpu.memory_space<semaphore_mem>>) src(%dma_wait3A_174 : memref<1000000x128xf32, #tpu.memory_space<hbm>>) dst(%arg13 : memref<128x128xf32, #tpu.memory_space<vmem>>)
    %dma_start3A_175 = arith.constant 1 : i32
    %dma_start3A_176 = arith.constant 0 : i32
    %dma_start3A_177 = tpu.memref_slice %arg9[%dma_start3A_175, %dma_start3A_176] : memref<4x128xi32, #tpu.memory_space<vmem>> -> memref<1x128xi32, #tpu.memory_space<vmem>>
    %dma_start3A_178 = tpu.memref_squeeze %dma_start3A_177 : memref<1x128xi32, #tpu.memory_space<vmem>> -> memref<128xi32, #tpu.memory_space<vmem>>
    %dma_start3A_179 = arith.constant 0 : i32
    %dma_start3A_180 = arith.constant 0 : i32
    %dma_start3A_181 = tpu.memref_slice %arg4[%dma_start3A_179, %dma_start3A_180] : memref<100000x128xf32, #tpu.memory_space<hbm>> -> memref<100000x128xf32, #tpu.memory_space<hbm>>
    tpu.enqueue_indirect_dma source(%dma_start3A_181 : memref<100000x128xf32, #tpu.memory_space<hbm>>) target(%arg12 : memref<128x128xf32, #tpu.memory_space<vmem>>) offsets(%dma_start3A_178 : memref<128xi32, #tpu.memory_space<vmem>>) semaphore(%arg19 : memref<!tpu.dma_semaphore, #tpu.memory_space<semaphore_mem>>)
    %dma_start3A_182 = arith.constant 1 : i32
    %dma_start3A_183 = arith.constant 0 : i32
    %dma_start3A_184 = tpu.memref_slice %arg10[%dma_start3A_182, %dma_start3A_183] : memref<4x128xi32, #tpu.memory_space<vmem>> -> memref<1x128xi32, #tpu.memory_space<vmem>>
    %dma_start3A_185 = tpu.memref_squeeze %dma_start3A_184 : memref<1x128xi32, #tpu.memory_space<vmem>> -> memref<128xi32, #tpu.memory_space<vmem>>
    %dma_start3A_186 = arith.constant 0 : i32
    %dma_start3A_187 = arith.constant 0 : i32
    %dma_start3A_188 = tpu.memref_slice %arg5[%dma_start3A_186, %dma_start3A_187] : memref<1000000x128xf32, #tpu.memory_space<hbm>> -> memref<1000000x128xf32, #tpu.memory_space<hbm>>
    tpu.enqueue_indirect_dma source(%dma_start3A_188 : memref<1000000x128xf32, #tpu.memory_space<hbm>>) target(%arg14 : memref<128x128xf32, #tpu.memory_space<vmem>>) offsets(%dma_start3A_185 : memref<128xi32, #tpu.memory_space<vmem>>) semaphore(%arg19 : memref<!tpu.dma_semaphore, #tpu.memory_space<semaphore_mem>>)
    %scan3A = arith.constant 0 : i32
    %scan3A_189 = arith.constant 0 : i32
    %scan3A_190 = arith.constant 8 : i32
    %scan3A_191 = arith.addi %scan3A_189, %scan3A_190 : i32
    %scan3A_192 = arith.constant 1 : i32
    %scan3A_193 = scf.for %scan3A_288 = %scan3A_189 to %scan3A_191 step %scan3A_192 iter_args(%scan3A_289 = %scan3A) -> (i32)  : i32 {
      %broadcast_in_dim3A = arith.constant 0.000000e+00 : f32
      %broadcast_in_dim3A_290 = vector.broadcast %broadcast_in_dim3A : f32 to vector<16xf32>
      %scan3A_291 = arith.constant 0 : i32
      %scan3A_292 = arith.constant 16 : i32
      %scan3A_293 = arith.addi %scan3A_291, %scan3A_292 : i32
      %scan3A_294 = arith.constant 1 : i32
      %scan3A_295 = scf.for %scan3A_320 = %scan3A_291 to %scan3A_293 step %scan3A_294 iter_args(%scan3A_321 = %broadcast_in_dim3A_290) -> (vector<16xf32>)  : i32 {
        %mul3A_322 = arith.constant 16 : i32
        %mul3A_323 = arith.muli %scan3A_288, %mul3A_322 : i32
        %add3A_324 = arith.addi %mul3A_323, %scan3A_320 : i32
        %get3A_325 = arith.index_cast %add3A_324 : i32 to index
        %get3A_326 = arith.constant 0 : index
        %get3A_327 = tpu.vector_load %arg11[%get3A_325, %get3A_326] {strides = array<i32>} : memref<128x128xf32, #tpu.memory_space<vmem>>, vector<1x16xf32>,
        %get3A_328 = vector.shape_cast %get3A_327 : vector<1x16xf32> to vector<16xf32>
        %get3A_329 = arith.index_cast %add3A_324 : i32 to index
        %get3A_330 = arith.constant 0 : index
        %get3A_331 = tpu.vector_load %arg13[%get3A_329, %get3A_330] {strides = array<i32>} : memref<128x128xf32, #tpu.memory_space<vmem>>, vector<1x16xf32>,
        %get3A_332 = vector.shape_cast %get3A_331 : vector<1x16xf32> to vector<16xf32>
        %mul3A_333 = arith.mulf %get3A_328, %get3A_332 : vector<16xf32>
        %get3A_334 = arith.index_cast %add3A_324 : i32 to index
        %get3A_335 = arith.constant 16 : index
        %get3A_336 = tpu.vector_load %arg11[%get3A_334, %get3A_335] {strides = array<i32>} : memref<128x128xf32, #tpu.memory_space<vmem>>, vector<1x16xf32>,
        %get3A_337 = vector.shape_cast %get3A_336 : vector<1x16xf32> to vector<16xf32>
        %get3A_338 = arith.index_cast %add3A_324 : i32 to index
        %get3A_339 = arith.constant 16 : index
        %get3A_340 = tpu.vector_load %arg13[%get3A_338, %get3A_339] {strides = array<i32>} : memref<128x128xf32, #tpu.memory_space<vmem>>, vector<1x16xf32>,
        %get3A_341 = vector.shape_cast %get3A_340 : vector<1x16xf32> to vector<16xf32>
        %mul3A_342 = arith.mulf %get3A_337, %get3A_341 : vector<16xf32>
        %add3A_343 = arith.addf %mul3A_333, %mul3A_342 : vector<16xf32>
        %get3A_344 = arith.index_cast %add3A_324 : i32 to index
        %get3A_345 = arith.constant 32 : index
        %get3A_346 = tpu.vector_load %arg11[%get3A_344, %get3A_345] {strides = array<i32>} : memref<128x128xf32, #tpu.memory_space<vmem>>, vector<1x16xf32>,
        %get3A_347 = vector.shape_cast %get3A_346 : vector<1x16xf32> to vector<16xf32>
        %get3A_348 = arith.index_cast %add3A_324 : i32 to index
        %get3A_349 = arith.constant 32 : index
        %get3A_350 = tpu.vector_load %arg13[%get3A_348, %get3A_349] {strides = array<i32>} : memref<128x128xf32, #tpu.memory_space<vmem>>, vector<1x16xf32>,
        %get3A_351 = vector.shape_cast %get3A_350 : vector<1x16xf32> to vector<16xf32>
        %mul3A_352 = arith.mulf %get3A_347, %get3A_351 : vector<16xf32>
        %add3A_353 = arith.addf %add3A_343, %mul3A_352 : vector<16xf32>
        %get3A_354 = arith.index_cast %add3A_324 : i32 to index
        %get3A_355 = arith.constant 48 : index
        %get3A_356 = tpu.vector_load %arg11[%get3A_354, %get3A_355] {strides = array<i32>} : memref<128x128xf32, #tpu.memory_space<vmem>>, vector<1x16xf32>,
        %get3A_357 = vector.shape_cast %get3A_356 : vector<1x16xf32> to vector<16xf32>
        %get3A_358 = arith.index_cast %add3A_324 : i32 to index
        %get3A_359 = arith.constant 48 : index
        %get3A_360 = tpu.vector_load %arg13[%get3A_358, %get3A_359] {strides = array<i32>} : memref<128x128xf32, #tpu.memory_space<vmem>>, vector<1x16xf32>,
        %get3A_361 = vector.shape_cast %get3A_360 : vector<1x16xf32> to vector<16xf32>
        %mul3A_362 = arith.mulf %get3A_357, %get3A_361 : vector<16xf32>
        %add3A_363 = arith.addf %add3A_353, %mul3A_362 : vector<16xf32>
        %get3A_364 = arith.index_cast %add3A_324 : i32 to index
        %get3A_365 = arith.constant 64 : index
        %get3A_366 = tpu.vector_load %arg11[%get3A_364, %get3A_365] {strides = array<i32>} : memref<128x128xf32, #tpu.memory_space<vmem>>, vector<1x16xf32>,
        %get3A_367 = vector.shape_cast %get3A_366 : vector<1x16xf32> to vector<16xf32>
        %get3A_368 = arith.index_cast %add3A_324 : i32 to index
        %get3A_369 = arith.constant 64 : index
        %get3A_370 = tpu.vector_load %arg13[%get3A_368, %get3A_369] {strides = array<i32>} : memref<128x128xf32, #tpu.memory_space<vmem>>, vector<1x16xf32>,
        %get3A_371 = vector.shape_cast %get3A_370 : vector<1x16xf32> to vector<16xf32>
        %mul3A_372 = arith.mulf %get3A_367, %get3A_371 : vector<16xf32>
        %add3A_373 = arith.addf %add3A_363, %mul3A_372 : vector<16xf32>
        %get3A_374 = arith.index_cast %add3A_324 : i32 to index
        %get3A_375 = arith.constant 80 : index
        %get3A_376 = tpu.vector_load %arg11[%get3A_374, %get3A_375] {strides = array<i32>} : memref<128x128xf32, #tpu.memory_space<vmem>>, vector<1x16xf32>,
        %get3A_377 = vector.shape_cast %get3A_376 : vector<1x16xf32> to vector<16xf32>
        %get3A_378 = arith.index_cast %add3A_324 : i32 to index
        %get3A_379 = arith.constant 80 : index
        %get3A_380 = tpu.vector_load %arg13[%get3A_378, %get3A_379] {strides = array<i32>} : memref<128x128xf32, #tpu.memory_space<vmem>>, vector<1x16xf32>,
        %get3A_381 = vector.shape_cast %get3A_380 : vector<1x16xf32> to vector<16xf32>
        %mul3A_382 = arith.mulf %get3A_377, %get3A_381 : vector<16xf32>
        %add3A_383 = arith.addf %add3A_373, %mul3A_382 : vector<16xf32>
        %get3A_384 = arith.index_cast %add3A_324 : i32 to index
        %get3A_385 = arith.constant 96 : index
        %get3A_386 = tpu.vector_load %arg11[%get3A_384, %get3A_385] {strides = array<i32>} : memref<128x128xf32, #tpu.memory_space<vmem>>, vector<1x16xf32>,
        %get3A_387 = vector.shape_cast %get3A_386 : vector<1x16xf32> to vector<16xf32>
        %get3A_388 = arith.index_cast %add3A_324 : i32 to index
        %get3A_389 = arith.constant 96 : index
        %get3A_390 = tpu.vector_load %arg13[%get3A_388, %get3A_389] {strides = array<i32>} : memref<128x128xf32, #tpu.memory_space<vmem>>, vector<1x16xf32>,
        %get3A_391 = vector.shape_cast %get3A_390 : vector<1x16xf32> to vector<16xf32>
        %mul3A_392 = arith.mulf %get3A_387, %get3A_391 : vector<16xf32>
        %add3A_393 = arith.addf %add3A_383, %mul3A_392 : vector<16xf32>
        %get3A_394 = arith.index_cast %add3A_324 : i32 to index
        %get3A_395 = arith.constant 112 : index
        %get3A_396 = tpu.vector_load %arg11[%get3A_394, %get3A_395] {strides = array<i32>} : memref<128x128xf32, #tpu.memory_space<vmem>>, vector<1x16xf32>,
        %get3A_397 = vector.shape_cast %get3A_396 : vector<1x16xf32> to vector<16xf32>
        %get3A_398 = arith.index_cast %add3A_324 : i32 to index
        %get3A_399 = arith.constant 112 : index
        %get3A_400 = tpu.vector_load %arg13[%get3A_398, %get3A_399] {strides = array<i32>} : memref<128x128xf32, #tpu.memory_space<vmem>>, vector<1x16xf32>,
        %get3A_401 = vector.shape_cast %get3A_400 : vector<1x16xf32> to vector<16xf32>
        %mul3A_402 = arith.mulf %get3A_397, %get3A_401 : vector<16xf32>
        %add3A_403 = arith.addf %add3A_393, %mul3A_402 : vector<16xf32>
        %slice3A = vector.extract_strided_slice %add3A_403 {offsets = [0], sizes = [1], strides = [1]} : vector<16xf32> to vector<1xf32>
        %squeeze3A = vector.extract %slice3A[0] : f32 from vector<1xf32>
        %slice3A_404 = vector.extract_strided_slice %add3A_403 {offsets = [1], sizes = [1], strides = [1]} : vector<16xf32> to vector<1xf32>
        %squeeze3A_405 = vector.extract %slice3A_404[0] : f32 from vector<1xf32>
        %add3A_406 = arith.addf %squeeze3A, %squeeze3A_405 : f32
        %slice3A_407 = vector.extract_strided_slice %add3A_403 {offsets = [2], sizes = [1], strides = [1]} : vector<16xf32> to vector<1xf32>
        %squeeze3A_408 = vector.extract %slice3A_407[0] : f32 from vector<1xf32>
        %slice3A_409 = vector.extract_strided_slice %add3A_403 {offsets = [3], sizes = [1], strides = [1]} : vector<16xf32> to vector<1xf32>
        %squeeze3A_410 = vector.extract %slice3A_409[0] : f32 from vector<1xf32>
        %add3A_411 = arith.addf %squeeze3A_408, %squeeze3A_410 : f32
        %add3A_412 = arith.addf %add3A_406, %add3A_411 : f32
        %slice3A_413 = vector.extract_strided_slice %add3A_403 {offsets = [4], sizes = [1], strides = [1]} : vector<16xf32> to vector<1xf32>
        %squeeze3A_414 = vector.extract %slice3A_413[0] : f32 from vector<1xf32>
        %slice3A_415 = vector.extract_strided_slice %add3A_403 {offsets = [5], sizes = [1], strides = [1]} : vector<16xf32> to vector<1xf32>
        %squeeze3A_416 = vector.extract %slice3A_415[0] : f32 from vector<1xf32>
        %add3A_417 = arith.addf %squeeze3A_414, %squeeze3A_416 : f32
        %slice3A_418 = vector.extract_strided_slice %add3A_403 {offsets = [6], sizes = [1], strides = [1]} : vector<16xf32> to vector<1xf32>
        %squeeze3A_419 = vector.extract %slice3A_418[0] : f32 from vector<1xf32>
        %slice3A_420 = vector.extract_strided_slice %add3A_403 {offsets = [7], sizes = [1], strides = [1]} : vector<16xf32> to vector<1xf32>
        %squeeze3A_421 = vector.extract %slice3A_420[0] : f32 from vector<1xf32>
        %add3A_422 = arith.addf %squeeze3A_419, %squeeze3A_421 : f32
        %add3A_423 = arith.addf %add3A_417, %add3A_422 : f32
        %slice3A_424 = vector.extract_strided_slice %add3A_403 {offsets = [8], sizes = [1], strides = [1]} : vector<16xf32> to vector<1xf32>
        %squeeze3A_425 = vector.extract %slice3A_424[0] : f32 from vector<1xf32>
        %slice3A_426 = vector.extract_strided_slice %add3A_403 {offsets = [9], sizes = [1], strides = [1]} : vector<16xf32> to vector<1xf32>
        %squeeze3A_427 = vector.extract %slice3A_426[0] : f32 from vector<1xf32>
        %add3A_428 = arith.addf %squeeze3A_425, %squeeze3A_427 : f32
        %slice3A_429 = vector.extract_strided_slice %add3A_403 {offsets = [10], sizes = [1], strides = [1]} : vector<16xf32> to vector<1xf32>
        %squeeze3A_430 = vector.extract %slice3A_429[0] : f32 from vector<1xf32>
        %slice3A_431 = vector.extract_strided_slice %add3A_403 {offsets = [11], sizes = [1], strides = [1]} : vector<16xf32> to vector<1xf32>
        %squeeze3A_432 = vector.extract %slice3A_431[0] : f32 from vector<1xf32>
        %add3A_433 = arith.addf %squeeze3A_430, %squeeze3A_432 : f32
        %add3A_434 = arith.addf %add3A_428, %add3A_433 : f32
        %slice3A_435 = vector.extract_strided_slice %add3A_403 {offsets = [12], sizes = [1], strides = [1]} : vector<16xf32> to vector<1xf32>
        %squeeze3A_436 = vector.extract %slice3A_435[0] : f32 from vector<1xf32>
        %slice3A_437 = vector.extract_strided_slice %add3A_403 {offsets = [13], sizes = [1], strides = [1]} : vector<16xf32> to vector<1xf32>
        %squeeze3A_438 = vector.extract %slice3A_437[0] : f32 from vector<1xf32>
        %add3A_439 = arith.addf %squeeze3A_436, %squeeze3A_438 : f32
        %slice3A_440 = vector.extract_strided_slice %add3A_403 {offsets = [14], sizes = [1], strides = [1]} : vector<16xf32> to vector<1xf32>
        %squeeze3A_441 = vector.extract %slice3A_440[0] : f32 from vector<1xf32>
        %slice3A_442 = vector.extract_strided_slice %add3A_403 {offsets = [15], sizes = [1], strides = [1]} : vector<16xf32> to vector<1xf32>
        %squeeze3A_443 = vector.extract %slice3A_442[0] : f32 from vector<1xf32>
        %add3A_444 = arith.addf %squeeze3A_441, %squeeze3A_443 : f32
        %add3A_445 = arith.addf %add3A_439, %add3A_444 : f32
        %add3A_446 = arith.addf %add3A_412, %add3A_423 : f32
        %add3A_447 = arith.addf %add3A_434, %add3A_445 : f32
        %add3A_448 = arith.addf %add3A_446, %add3A_447 : f32
        %eq3A = vector.broadcast %scan3A_320 : i32 to vector<16xi32>
        %eq3A_449 = arith.cmpi eq, %iota3A, %eq3A : vector<16xi32>
        %broadcast_in_dim3A_450 = vector.broadcast %add3A_448 : f32 to vector<16xf32>
        %select_n3A = arith.select %eq3A_449, %broadcast_in_dim3A_450, %scan3A_321 : vector<16xi1>, vector<16xf32>
        scf.yield %select_n3A : vector<16xf32>
      }
      %scan3A_296 = arith.constant 16 : i32
      %mul3A_297 = arith.constant 16 : i32
      %mul3A_298 = arith.muli %scan3A_288, %mul3A_297 : i32
      %mul3A_299 = arith.constant 16 : i32
      %mul3A_300 = arith.muli %scan3A_288, %mul3A_299 : i32
      %add3A_301 = arith.constant 0 : i32
      %add3A_302 = arith.addi %add3A_301, %mul3A_300 : i32
      %get3A = arith.constant 0 : i32
      %get3A_303 = arith.index_cast %get3A : i32 to index
      %get3A_304 = arith.index_cast %add3A_302 : i32 to index
      %get3A_305 = tpu.vector_load %arg15[%get3A_303, %get3A_304] {strides = array<i32>} : memref<1x512xf32, #tpu.memory_space<vmem>>, vector<1x16xf32>,
      %get3A_306 = vector.shape_cast %get3A_305 : vector<1x16xf32> to vector<16xf32>
      %add3A_307 = arith.addf %scan3A_295, %get3A_306 : vector<16xf32>
      %get3A_308 = arith.constant 0 : i32
      %get3A_309 = arith.index_cast %get3A_308 : i32 to index
      %get3A_310 = arith.index_cast %add3A_302 : i32 to index
      %get3A_311 = tpu.vector_load %arg16[%get3A_309, %get3A_310] {strides = array<i32>} : memref<1x512xf32, #tpu.memory_space<vmem>>, vector<1x16xf32>,
      %get3A_312 = vector.shape_cast %get3A_311 : vector<1x16xf32> to vector<16xf32>
      %add3A_313 = arith.addf %add3A_307, %get3A_312 : vector<16xf32>
      %swap3A = arith.constant 0 : i32
      %swap3A_314 = arith.index_cast %swap3A : i32 to index
      %swap3A_315 = arith.index_cast %mul3A_298 : i32 to index
      %swap3A_316 = tpu.vector_load %arg17[%swap3A_314, %swap3A_315] {strides = array<i32>} : memref<4x128xf32, #tpu.memory_space<vmem>>, vector<1x16xf32>,
      %swap3A_317 = vector.shape_cast %swap3A_316 : vector<1x16xf32> to vector<16xf32>
      %swap3A_318 = vector.shape_cast %add3A_313 : vector<16xf32> to vector<1x16xf32>
      tpu.vector_store %arg17[%swap3A_314, %swap3A_315], %swap3A_318 {strides = array<i32>} : memref<4x128xf32, #tpu.memory_space<vmem>>, vector<1x16xf32>,
      %scan3A_319 = arith.constant 0 : i32
      scf.yield %scan3A_319 : i32
    }
    %scan3A_194 = arith.constant 8 : i32
    %dma_wait3A_195 = arith.constant 1 : i32
    %dma_wait3A_196 = arith.constant 0 : i32
    %dma_wait3A_197 = tpu.memref_slice %arg9[%dma_wait3A_195, %dma_wait3A_196] : memref<4x128xi32, #tpu.memory_space<vmem>> -> memref<1x128xi32, #tpu.memory_space<vmem>>
    %dma_wait3A_198 = tpu.memref_squeeze %dma_wait3A_197 : memref<1x128xi32, #tpu.memory_space<vmem>> -> memref<128xi32, #tpu.memory_space<vmem>>
    %dma_wait3A_199 = arith.constant 0 : i32
    %dma_wait3A_200 = arith.constant 0 : i32
    %dma_wait3A_201 = tpu.memref_slice %arg4[%dma_wait3A_199, %dma_wait3A_200] : memref<100000x128xf32, #tpu.memory_space<hbm>> -> memref<100000x128xf32, #tpu.memory_space<hbm>>
    tpu.wait_indirect_dma semaphore(%arg19 : memref<!tpu.dma_semaphore, #tpu.memory_space<semaphore_mem>>) src(%dma_wait3A_201 : memref<100000x128xf32, #tpu.memory_space<hbm>>) dst(%arg12 : memref<128x128xf32, #tpu.memory_space<vmem>>)
    %dma_wait3A_202 = arith.constant 1 : i32
    %dma_wait3A_203 = arith.constant 0 : i32
    %dma_wait3A_204 = tpu.memref_slice %arg10[%dma_wait3A_202, %dma_wait3A_203] : memref<4x128xi32, #tpu.memory_space<vmem>> -> memref<1x128xi32, #tpu.memory_space<vmem>>
    %dma_wait3A_205 = tpu.memref_squeeze %dma_wait3A_204 : memref<1x128xi32, #tpu.memory_space<vmem>> -> memref<128xi32, #tpu.memory_space<vmem>>
    %dma_wait3A_206 = arith.constant 0 : i32
    %dma_wait3A_207 = arith.constant 0 : i32
    %dma_wait3A_208 = tpu.memref_slice %arg5[%dma_wait3A_206, %dma_wait3A_207] : memref<1000000x128xf32, #tpu.memory_space<hbm>> -> memref<1000000x128xf32, #tpu.memory_space<hbm>>
    tpu.wait_indirect_dma semaphore(%arg19 : memref<!tpu.dma_semaphore, #tpu.memory_space<semaphore_mem>>) src(%dma_wait3A_208 : memref<1000000x128xf32, #tpu.memory_space<hbm>>) dst(%arg14 : memref<128x128xf32, #tpu.memory_space<vmem>>)
    %dma_start3A_209 = arith.constant 2 : i32
    %dma_start3A_210 = arith.constant 0 : i32
    %dma_start3A_211 = tpu.memref_slice %arg9[%dma_start3A_209, %dma_start3A_210] : memref<4x128xi32, #tpu.memory_space<vmem>> -> memref<1x128xi32, #tpu.memory_space<vmem>>
    %dma_start3A_212 = tpu.memref_squeeze %dma_start3A_211 : memref<1x128xi32, #tpu.memory_space<vmem>> -> memref<128xi32, #tpu.memory_space<vmem>>
    %dma_start3A_213 = arith.constant 0 : i32
    %dma_start3A_214 = arith.constant 0 : i32
    %dma_start3A_215 = tpu.memref_slice %arg4[%dma_start3A_213, %dma_start3A_214] : memref<100000x128xf32, #tpu.memory_space<hbm>> -> memref<100000x128xf32, #tpu.memory_space<hbm>>
    tpu.enqueue_indirect_dma source(%dma_start3A_215 : memref<100000x128xf32, #tpu.memory_space<hbm>>) target(%arg11 : memref<128x128xf32, #tpu.memory_space<vmem>>) offsets(%dma_start3A_212 : memref<128xi32, #tpu.memory_space<vmem>>) semaphore(%arg18 : memref<!tpu.dma_semaphore, #tpu.memory_space<semaphore_mem>>)
    %dma_start3A_216 = arith.constant 2 : i32
    %dma_start3A_217 = arith.constant 0 : i32
    %dma_start3A_218 = tpu.memref_slice %arg10[%dma_start3A_216, %dma_start3A_217] : memref<4x128xi32, #tpu.memory_space<vmem>> -> memref<1x128xi32, #tpu.memory_space<vmem>>
    %dma_start3A_219 = tpu.memref_squeeze %dma_start3A_218 : memref<1x128xi32, #tpu.memory_space<vmem>> -> memref<128xi32, #tpu.memory_space<vmem>>
    %dma_start3A_220 = arith.constant 0 : i32
    %dma_start3A_221 = arith.constant 0 : i32
    %dma_start3A_222 = tpu.memref_slice %arg5[%dma_start3A_220, %dma_start3A_221] : memref<1000000x128xf32, #tpu.memory_space<hbm>> -> memref<1000000x128xf32, #tpu.memory_space<hbm>>
    tpu.enqueue_indirect_dma source(%dma_start3A_222 : memref<1000000x128xf32, #tpu.memory_space<hbm>>) target(%arg13 : memref<128x128xf32, #tpu.memory_space<vmem>>) offsets(%dma_start3A_219 : memref<128xi32, #tpu.memory_space<vmem>>) semaphore(%arg18 : memref<!tpu.dma_semaphore, #tpu.memory_space<semaphore_mem>>)
    %scan3A_223 = arith.constant 0 : i32
    %scan3A_224 = arith.constant 0 : i32
    %scan3A_225 = arith.constant 8 : i32
    %scan3A_226 = arith.addi %scan3A_224, %scan3A_225 : i32
    %scan3A_227 = arith.constant 1 : i32
    %scan3A_228 = scf.for %scan3A_288 = %scan3A_224 to %scan3A_226 step %scan3A_227 iter_args(%scan3A_289 = %scan3A_223) -> (i32)  : i32 {
      %broadcast_in_dim3A = arith.constant 0.000000e+00 : f32
      %broadcast_in_dim3A_290 = vector.broadcast %broadcast_in_dim3A : f32 to vector<16xf32>
      %scan3A_291 = arith.constant 0 : i32
      %scan3A_292 = arith.constant 16 : i32
      %scan3A_293 = arith.addi %scan3A_291, %scan3A_292 : i32
      %scan3A_294 = arith.constant 1 : i32
      %scan3A_295 = scf.for %scan3A_320 = %scan3A_291 to %scan3A_293 step %scan3A_294 iter_args(%scan3A_321 = %broadcast_in_dim3A_290) -> (vector<16xf32>)  : i32 {
        %mul3A_322 = arith.constant 16 : i32
        %mul3A_323 = arith.muli %scan3A_288, %mul3A_322 : i32
        %add3A_324 = arith.addi %mul3A_323, %scan3A_320 : i32
        %get3A_325 = arith.index_cast %add3A_324 : i32 to index
        %get3A_326 = arith.constant 0 : index
        %get3A_327 = tpu.vector_load %arg12[%get3A_325, %get3A_326] {strides = array<i32>} : memref<128x128xf32, #tpu.memory_space<vmem>>, vector<1x16xf32>,
        %get3A_328 = vector.shape_cast %get3A_327 : vector<1x16xf32> to vector<16xf32>
        %get3A_329 = arith.index_cast %add3A_324 : i32 to index
        %get3A_330 = arith.constant 0 : index
        %get3A_331 = tpu.vector_load %arg14[%get3A_329, %get3A_330] {strides = array<i32>} : memref<128x128xf32, #tpu.memory_space<vmem>>, vector<1x16xf32>,
        %get3A_332 = vector.shape_cast %get3A_331 : vector<1x16xf32> to vector<16xf32>
        %mul3A_333 = arith.mulf %get3A_328, %get3A_332 : vector<16xf32>
        %get3A_334 = arith.index_cast %add3A_324 : i32 to index
        %get3A_335 = arith.constant 16 : index
        %get3A_336 = tpu.vector_load %arg12[%get3A_334, %get3A_335] {strides = array<i32>} : memref<128x128xf32, #tpu.memory_space<vmem>>, vector<1x16xf32>,
        %get3A_337 = vector.shape_cast %get3A_336 : vector<1x16xf32> to vector<16xf32>
        %get3A_338 = arith.index_cast %add3A_324 : i32 to index
        %get3A_339 = arith.constant 16 : index
        %get3A_340 = tpu.vector_load %arg14[%get3A_338, %get3A_339] {strides = array<i32>} : memref<128x128xf32, #tpu.memory_space<vmem>>, vector<1x16xf32>,
        %get3A_341 = vector.shape_cast %get3A_340 : vector<1x16xf32> to vector<16xf32>
        %mul3A_342 = arith.mulf %get3A_337, %get3A_341 : vector<16xf32>
        %add3A_343 = arith.addf %mul3A_333, %mul3A_342 : vector<16xf32>
        %get3A_344 = arith.index_cast %add3A_324 : i32 to index
        %get3A_345 = arith.constant 32 : index
        %get3A_346 = tpu.vector_load %arg12[%get3A_344, %get3A_345] {strides = array<i32>} : memref<128x128xf32, #tpu.memory_space<vmem>>, vector<1x16xf32>,
        %get3A_347 = vector.shape_cast %get3A_346 : vector<1x16xf32> to vector<16xf32>
        %get3A_348 = arith.index_cast %add3A_324 : i32 to index
        %get3A_349 = arith.constant 32 : index
        %get3A_350 = tpu.vector_load %arg14[%get3A_348, %get3A_349] {strides = array<i32>} : memref<128x128xf32, #tpu.memory_space<vmem>>, vector<1x16xf32>,
        %get3A_351 = vector.shape_cast %get3A_350 : vector<1x16xf32> to vector<16xf32>
        %mul3A_352 = arith.mulf %get3A_347, %get3A_351 : vector<16xf32>
        %add3A_353 = arith.addf %add3A_343, %mul3A_352 : vector<16xf32>
        %get3A_354 = arith.index_cast %add3A_324 : i32 to index
        %get3A_355 = arith.constant 48 : index
        %get3A_356 = tpu.vector_load %arg12[%get3A_354, %get3A_355] {strides = array<i32>} : memref<128x128xf32, #tpu.memory_space<vmem>>, vector<1x16xf32>,
        %get3A_357 = vector.shape_cast %get3A_356 : vector<1x16xf32> to vector<16xf32>
        %get3A_358 = arith.index_cast %add3A_324 : i32 to index
        %get3A_359 = arith.constant 48 : index
        %get3A_360 = tpu.vector_load %arg14[%get3A_358, %get3A_359] {strides = array<i32>} : memref<128x128xf32, #tpu.memory_space<vmem>>, vector<1x16xf32>,
        %get3A_361 = vector.shape_cast %get3A_360 : vector<1x16xf32> to vector<16xf32>
        %mul3A_362 = arith.mulf %get3A_357, %get3A_361 : vector<16xf32>
        %add3A_363 = arith.addf %add3A_353, %mul3A_362 : vector<16xf32>
        %get3A_364 = arith.index_cast %add3A_324 : i32 to index
        %get3A_365 = arith.constant 64 : index
        %get3A_366 = tpu.vector_load %arg12[%get3A_364, %get3A_365] {strides = array<i32>} : memref<128x128xf32, #tpu.memory_space<vmem>>, vector<1x16xf32>,
        %get3A_367 = vector.shape_cast %get3A_366 : vector<1x16xf32> to vector<16xf32>
        %get3A_368 = arith.index_cast %add3A_324 : i32 to index
        %get3A_369 = arith.constant 64 : index
        %get3A_370 = tpu.vector_load %arg14[%get3A_368, %get3A_369] {strides = array<i32>} : memref<128x128xf32, #tpu.memory_space<vmem>>, vector<1x16xf32>,
        %get3A_371 = vector.shape_cast %get3A_370 : vector<1x16xf32> to vector<16xf32>
        %mul3A_372 = arith.mulf %get3A_367, %get3A_371 : vector<16xf32>
        %add3A_373 = arith.addf %add3A_363, %mul3A_372 : vector<16xf32>
        %get3A_374 = arith.index_cast %add3A_324 : i32 to index
        %get3A_375 = arith.constant 80 : index
        %get3A_376 = tpu.vector_load %arg12[%get3A_374, %get3A_375] {strides = array<i32>} : memref<128x128xf32, #tpu.memory_space<vmem>>, vector<1x16xf32>,
        %get3A_377 = vector.shape_cast %get3A_376 : vector<1x16xf32> to vector<16xf32>
        %get3A_378 = arith.index_cast %add3A_324 : i32 to index
        %get3A_379 = arith.constant 80 : index
        %get3A_380 = tpu.vector_load %arg14[%get3A_378, %get3A_379] {strides = array<i32>} : memref<128x128xf32, #tpu.memory_space<vmem>>, vector<1x16xf32>,
        %get3A_381 = vector.shape_cast %get3A_380 : vector<1x16xf32> to vector<16xf32>
        %mul3A_382 = arith.mulf %get3A_377, %get3A_381 : vector<16xf32>
        %add3A_383 = arith.addf %add3A_373, %mul3A_382 : vector<16xf32>
        %get3A_384 = arith.index_cast %add3A_324 : i32 to index
        %get3A_385 = arith.constant 96 : index
        %get3A_386 = tpu.vector_load %arg12[%get3A_384, %get3A_385] {strides = array<i32>} : memref<128x128xf32, #tpu.memory_space<vmem>>, vector<1x16xf32>,
        %get3A_387 = vector.shape_cast %get3A_386 : vector<1x16xf32> to vector<16xf32>
        %get3A_388 = arith.index_cast %add3A_324 : i32 to index
        %get3A_389 = arith.constant 96 : index
        %get3A_390 = tpu.vector_load %arg14[%get3A_388, %get3A_389] {strides = array<i32>} : memref<128x128xf32, #tpu.memory_space<vmem>>, vector<1x16xf32>,
        %get3A_391 = vector.shape_cast %get3A_390 : vector<1x16xf32> to vector<16xf32>
        %mul3A_392 = arith.mulf %get3A_387, %get3A_391 : vector<16xf32>
        %add3A_393 = arith.addf %add3A_383, %mul3A_392 : vector<16xf32>
        %get3A_394 = arith.index_cast %add3A_324 : i32 to index
        %get3A_395 = arith.constant 112 : index
        %get3A_396 = tpu.vector_load %arg12[%get3A_394, %get3A_395] {strides = array<i32>} : memref<128x128xf32, #tpu.memory_space<vmem>>, vector<1x16xf32>,
        %get3A_397 = vector.shape_cast %get3A_396 : vector<1x16xf32> to vector<16xf32>
        %get3A_398 = arith.index_cast %add3A_324 : i32 to index
        %get3A_399 = arith.constant 112 : index
        %get3A_400 = tpu.vector_load %arg14[%get3A_398, %get3A_399] {strides = array<i32>} : memref<128x128xf32, #tpu.memory_space<vmem>>, vector<1x16xf32>,
        %get3A_401 = vector.shape_cast %get3A_400 : vector<1x16xf32> to vector<16xf32>
        %mul3A_402 = arith.mulf %get3A_397, %get3A_401 : vector<16xf32>
        %add3A_403 = arith.addf %add3A_393, %mul3A_402 : vector<16xf32>
        %slice3A = vector.extract_strided_slice %add3A_403 {offsets = [0], sizes = [1], strides = [1]} : vector<16xf32> to vector<1xf32>
        %squeeze3A = vector.extract %slice3A[0] : f32 from vector<1xf32>
        %slice3A_404 = vector.extract_strided_slice %add3A_403 {offsets = [1], sizes = [1], strides = [1]} : vector<16xf32> to vector<1xf32>
        %squeeze3A_405 = vector.extract %slice3A_404[0] : f32 from vector<1xf32>
        %add3A_406 = arith.addf %squeeze3A, %squeeze3A_405 : f32
        %slice3A_407 = vector.extract_strided_slice %add3A_403 {offsets = [2], sizes = [1], strides = [1]} : vector<16xf32> to vector<1xf32>
        %squeeze3A_408 = vector.extract %slice3A_407[0] : f32 from vector<1xf32>
        %slice3A_409 = vector.extract_strided_slice %add3A_403 {offsets = [3], sizes = [1], strides = [1]} : vector<16xf32> to vector<1xf32>
        %squeeze3A_410 = vector.extract %slice3A_409[0] : f32 from vector<1xf32>
        %add3A_411 = arith.addf %squeeze3A_408, %squeeze3A_410 : f32
        %add3A_412 = arith.addf %add3A_406, %add3A_411 : f32
        %slice3A_413 = vector.extract_strided_slice %add3A_403 {offsets = [4], sizes = [1], strides = [1]} : vector<16xf32> to vector<1xf32>
        %squeeze3A_414 = vector.extract %slice3A_413[0] : f32 from vector<1xf32>
        %slice3A_415 = vector.extract_strided_slice %add3A_403 {offsets = [5], sizes = [1], strides = [1]} : vector<16xf32> to vector<1xf32>
        %squeeze3A_416 = vector.extract %slice3A_415[0] : f32 from vector<1xf32>
        %add3A_417 = arith.addf %squeeze3A_414, %squeeze3A_416 : f32
        %slice3A_418 = vector.extract_strided_slice %add3A_403 {offsets = [6], sizes = [1], strides = [1]} : vector<16xf32> to vector<1xf32>
        %squeeze3A_419 = vector.extract %slice3A_418[0] : f32 from vector<1xf32>
        %slice3A_420 = vector.extract_strided_slice %add3A_403 {offsets = [7], sizes = [1], strides = [1]} : vector<16xf32> to vector<1xf32>
        %squeeze3A_421 = vector.extract %slice3A_420[0] : f32 from vector<1xf32>
        %add3A_422 = arith.addf %squeeze3A_419, %squeeze3A_421 : f32
        %add3A_423 = arith.addf %add3A_417, %add3A_422 : f32
        %slice3A_424 = vector.extract_strided_slice %add3A_403 {offsets = [8], sizes = [1], strides = [1]} : vector<16xf32> to vector<1xf32>
        %squeeze3A_425 = vector.extract %slice3A_424[0] : f32 from vector<1xf32>
        %slice3A_426 = vector.extract_strided_slice %add3A_403 {offsets = [9], sizes = [1], strides = [1]} : vector<16xf32> to vector<1xf32>
        %squeeze3A_427 = vector.extract %slice3A_426[0] : f32 from vector<1xf32>
        %add3A_428 = arith.addf %squeeze3A_425, %squeeze3A_427 : f32
        %slice3A_429 = vector.extract_strided_slice %add3A_403 {offsets = [10], sizes = [1], strides = [1]} : vector<16xf32> to vector<1xf32>
        %squeeze3A_430 = vector.extract %slice3A_429[0] : f32 from vector<1xf32>
        %slice3A_431 = vector.extract_strided_slice %add3A_403 {offsets = [11], sizes = [1], strides = [1]} : vector<16xf32> to vector<1xf32>
        %squeeze3A_432 = vector.extract %slice3A_431[0] : f32 from vector<1xf32>
        %add3A_433 = arith.addf %squeeze3A_430, %squeeze3A_432 : f32
        %add3A_434 = arith.addf %add3A_428, %add3A_433 : f32
        %slice3A_435 = vector.extract_strided_slice %add3A_403 {offsets = [12], sizes = [1], strides = [1]} : vector<16xf32> to vector<1xf32>
        %squeeze3A_436 = vector.extract %slice3A_435[0] : f32 from vector<1xf32>
        %slice3A_437 = vector.extract_strided_slice %add3A_403 {offsets = [13], sizes = [1], strides = [1]} : vector<16xf32> to vector<1xf32>
        %squeeze3A_438 = vector.extract %slice3A_437[0] : f32 from vector<1xf32>
        %add3A_439 = arith.addf %squeeze3A_436, %squeeze3A_438 : f32
        %slice3A_440 = vector.extract_strided_slice %add3A_403 {offsets = [14], sizes = [1], strides = [1]} : vector<16xf32> to vector<1xf32>
        %squeeze3A_441 = vector.extract %slice3A_440[0] : f32 from vector<1xf32>
        %slice3A_442 = vector.extract_strided_slice %add3A_403 {offsets = [15], sizes = [1], strides = [1]} : vector<16xf32> to vector<1xf32>
        %squeeze3A_443 = vector.extract %slice3A_442[0] : f32 from vector<1xf32>
        %add3A_444 = arith.addf %squeeze3A_441, %squeeze3A_443 : f32
        %add3A_445 = arith.addf %add3A_439, %add3A_444 : f32
        %add3A_446 = arith.addf %add3A_412, %add3A_423 : f32
        %add3A_447 = arith.addf %add3A_434, %add3A_445 : f32
        %add3A_448 = arith.addf %add3A_446, %add3A_447 : f32
        %eq3A = vector.broadcast %scan3A_320 : i32 to vector<16xi32>
        %eq3A_449 = arith.cmpi eq, %iota3A, %eq3A : vector<16xi32>
        %broadcast_in_dim3A_450 = vector.broadcast %add3A_448 : f32 to vector<16xf32>
        %select_n3A = arith.select %eq3A_449, %broadcast_in_dim3A_450, %scan3A_321 : vector<16xi1>, vector<16xf32>
        scf.yield %select_n3A : vector<16xf32>
      }
      %scan3A_296 = arith.constant 16 : i32
      %mul3A_297 = arith.constant 16 : i32
      %mul3A_298 = arith.muli %scan3A_288, %mul3A_297 : i32
      %mul3A_299 = arith.constant 16 : i32
      %mul3A_300 = arith.muli %scan3A_288, %mul3A_299 : i32
      %add3A_301 = arith.constant 128 : i32
      %add3A_302 = arith.addi %add3A_301, %mul3A_300 : i32
      %get3A = arith.constant 0 : i32
      %get3A_303 = arith.index_cast %get3A : i32 to index
      %get3A_304 = arith.index_cast %add3A_302 : i32 to index
      %get3A_305 = tpu.vector_load %arg15[%get3A_303, %get3A_304] {strides = array<i32>} : memref<1x512xf32, #tpu.memory_space<vmem>>, vector<1x16xf32>,
      %get3A_306 = vector.shape_cast %get3A_305 : vector<1x16xf32> to vector<16xf32>
      %add3A_307 = arith.addf %scan3A_295, %get3A_306 : vector<16xf32>
      %get3A_308 = arith.constant 0 : i32
      %get3A_309 = arith.index_cast %get3A_308 : i32 to index
      %get3A_310 = arith.index_cast %add3A_302 : i32 to index
      %get3A_311 = tpu.vector_load %arg16[%get3A_309, %get3A_310] {strides = array<i32>} : memref<1x512xf32, #tpu.memory_space<vmem>>, vector<1x16xf32>,
      %get3A_312 = vector.shape_cast %get3A_311 : vector<1x16xf32> to vector<16xf32>
      %add3A_313 = arith.addf %add3A_307, %get3A_312 : vector<16xf32>
      %swap3A = arith.constant 1 : i32
      %swap3A_314 = arith.index_cast %swap3A : i32 to index
      %swap3A_315 = arith.index_cast %mul3A_298 : i32 to index
      %swap3A_316 = tpu.vector_load %arg17[%swap3A_314, %swap3A_315] {strides = array<i32>} : memref<4x128xf32, #tpu.memory_space<vmem>>, vector<1x16xf32>,
      %swap3A_317 = vector.shape_cast %swap3A_316 : vector<1x16xf32> to vector<16xf32>
      %swap3A_318 = vector.shape_cast %add3A_313 : vector<16xf32> to vector<1x16xf32>
      tpu.vector_store %arg17[%swap3A_314, %swap3A_315], %swap3A_318 {strides = array<i32>} : memref<4x128xf32, #tpu.memory_space<vmem>>, vector<1x16xf32>,
      %scan3A_319 = arith.constant 0 : i32
      scf.yield %scan3A_319 : i32
    }
    %scan3A_229 = arith.constant 8 : i32
    %dma_wait3A_230 = arith.constant 2 : i32
    %dma_wait3A_231 = arith.constant 0 : i32
    %dma_wait3A_232 = tpu.memref_slice %arg9[%dma_wait3A_230, %dma_wait3A_231] : memref<4x128xi32, #tpu.memory_space<vmem>> -> memref<1x128xi32, #tpu.memory_space<vmem>>
    %dma_wait3A_233 = tpu.memref_squeeze %dma_wait3A_232 : memref<1x128xi32, #tpu.memory_space<vmem>> -> memref<128xi32, #tpu.memory_space<vmem>>
    %dma_wait3A_234 = arith.constant 0 : i32
    %dma_wait3A_235 = arith.constant 0 : i32
    %dma_wait3A_236 = tpu.memref_slice %arg4[%dma_wait3A_234, %dma_wait3A_235] : memref<100000x128xf32, #tpu.memory_space<hbm>> -> memref<100000x128xf32, #tpu.memory_space<hbm>>
    tpu.wait_indirect_dma semaphore(%arg18 : memref<!tpu.dma_semaphore, #tpu.memory_space<semaphore_mem>>) src(%dma_wait3A_236 : memref<100000x128xf32, #tpu.memory_space<hbm>>) dst(%arg11 : memref<128x128xf32, #tpu.memory_space<vmem>>)
    %dma_wait3A_237 = arith.constant 2 : i32
    %dma_wait3A_238 = arith.constant 0 : i32
    %dma_wait3A_239 = tpu.memref_slice %arg10[%dma_wait3A_237, %dma_wait3A_238] : memref<4x128xi32, #tpu.memory_space<vmem>> -> memref<1x128xi32, #tpu.memory_space<vmem>>
    %dma_wait3A_240 = tpu.memref_squeeze %dma_wait3A_239 : memref<1x128xi32, #tpu.memory_space<vmem>> -> memref<128xi32, #tpu.memory_space<vmem>>
    %dma_wait3A_241 = arith.constant 0 : i32
    %dma_wait3A_242 = arith.constant 0 : i32
    %dma_wait3A_243 = tpu.memref_slice %arg5[%dma_wait3A_241, %dma_wait3A_242] : memref<1000000x128xf32, #tpu.memory_space<hbm>> -> memref<1000000x128xf32, #tpu.memory_space<hbm>>
    tpu.wait_indirect_dma semaphore(%arg18 : memref<!tpu.dma_semaphore, #tpu.memory_space<semaphore_mem>>) src(%dma_wait3A_243 : memref<1000000x128xf32, #tpu.memory_space<hbm>>) dst(%arg13 : memref<128x128xf32, #tpu.memory_space<vmem>>)
    %dma_start3A_244 = arith.constant 3 : i32
    %dma_start3A_245 = arith.constant 0 : i32
    %dma_start3A_246 = tpu.memref_slice %arg9[%dma_start3A_244, %dma_start3A_245] : memref<4x128xi32, #tpu.memory_space<vmem>> -> memref<1x128xi32, #tpu.memory_space<vmem>>
    %dma_start3A_247 = tpu.memref_squeeze %dma_start3A_246 : memref<1x128xi32, #tpu.memory_space<vmem>> -> memref<128xi32, #tpu.memory_space<vmem>>
    %dma_start3A_248 = arith.constant 0 : i32
    %dma_start3A_249 = arith.constant 0 : i32
    %dma_start3A_250 = tpu.memref_slice %arg4[%dma_start3A_248, %dma_start3A_249] : memref<100000x128xf32, #tpu.memory_space<hbm>> -> memref<100000x128xf32, #tpu.memory_space<hbm>>
    tpu.enqueue_indirect_dma source(%dma_start3A_250 : memref<100000x128xf32, #tpu.memory_space<hbm>>) target(%arg12 : memref<128x128xf32, #tpu.memory_space<vmem>>) offsets(%dma_start3A_247 : memref<128xi32, #tpu.memory_space<vmem>>) semaphore(%arg19 : memref<!tpu.dma_semaphore, #tpu.memory_space<semaphore_mem>>)
    %dma_start3A_251 = arith.constant 3 : i32
    %dma_start3A_252 = arith.constant 0 : i32
    %dma_start3A_253 = tpu.memref_slice %arg10[%dma_start3A_251, %dma_start3A_252] : memref<4x128xi32, #tpu.memory_space<vmem>> -> memref<1x128xi32, #tpu.memory_space<vmem>>
    %dma_start3A_254 = tpu.memref_squeeze %dma_start3A_253 : memref<1x128xi32, #tpu.memory_space<vmem>> -> memref<128xi32, #tpu.memory_space<vmem>>
    %dma_start3A_255 = arith.constant 0 : i32
    %dma_start3A_256 = arith.constant 0 : i32
    %dma_start3A_257 = tpu.memref_slice %arg5[%dma_start3A_255, %dma_start3A_256] : memref<1000000x128xf32, #tpu.memory_space<hbm>> -> memref<1000000x128xf32, #tpu.memory_space<hbm>>
    tpu.enqueue_indirect_dma source(%dma_start3A_257 : memref<1000000x128xf32, #tpu.memory_space<hbm>>) target(%arg14 : memref<128x128xf32, #tpu.memory_space<vmem>>) offsets(%dma_start3A_254 : memref<128xi32, #tpu.memory_space<vmem>>) semaphore(%arg19 : memref<!tpu.dma_semaphore, #tpu.memory_space<semaphore_mem>>)
    %scan3A_258 = arith.constant 0 : i32
    %scan3A_259 = arith.constant 0 : i32
    %scan3A_260 = arith.constant 8 : i32
    %scan3A_261 = arith.addi %scan3A_259, %scan3A_260 : i32
    %scan3A_262 = arith.constant 1 : i32
    %scan3A_263 = scf.for %scan3A_288 = %scan3A_259 to %scan3A_261 step %scan3A_262 iter_args(%scan3A_289 = %scan3A_258) -> (i32)  : i32 {
      %broadcast_in_dim3A = arith.constant 0.000000e+00 : f32
      %broadcast_in_dim3A_290 = vector.broadcast %broadcast_in_dim3A : f32 to vector<16xf32>
      %scan3A_291 = arith.constant 0 : i32
      %scan3A_292 = arith.constant 16 : i32
      %scan3A_293 = arith.addi %scan3A_291, %scan3A_292 : i32
      %scan3A_294 = arith.constant 1 : i32
      %scan3A_295 = scf.for %scan3A_320 = %scan3A_291 to %scan3A_293 step %scan3A_294 iter_args(%scan3A_321 = %broadcast_in_dim3A_290) -> (vector<16xf32>)  : i32 {
        %mul3A_322 = arith.constant 16 : i32
        %mul3A_323 = arith.muli %scan3A_288, %mul3A_322 : i32
        %add3A_324 = arith.addi %mul3A_323, %scan3A_320 : i32
        %get3A_325 = arith.index_cast %add3A_324 : i32 to index
        %get3A_326 = arith.constant 0 : index
        %get3A_327 = tpu.vector_load %arg11[%get3A_325, %get3A_326] {strides = array<i32>} : memref<128x128xf32, #tpu.memory_space<vmem>>, vector<1x16xf32>,
        %get3A_328 = vector.shape_cast %get3A_327 : vector<1x16xf32> to vector<16xf32>
        %get3A_329 = arith.index_cast %add3A_324 : i32 to index
        %get3A_330 = arith.constant 0 : index
        %get3A_331 = tpu.vector_load %arg13[%get3A_329, %get3A_330] {strides = array<i32>} : memref<128x128xf32, #tpu.memory_space<vmem>>, vector<1x16xf32>,
        %get3A_332 = vector.shape_cast %get3A_331 : vector<1x16xf32> to vector<16xf32>
        %mul3A_333 = arith.mulf %get3A_328, %get3A_332 : vector<16xf32>
        %get3A_334 = arith.index_cast %add3A_324 : i32 to index
        %get3A_335 = arith.constant 16 : index
        %get3A_336 = tpu.vector_load %arg11[%get3A_334, %get3A_335] {strides = array<i32>} : memref<128x128xf32, #tpu.memory_space<vmem>>, vector<1x16xf32>,
        %get3A_337 = vector.shape_cast %get3A_336 : vector<1x16xf32> to vector<16xf32>
        %get3A_338 = arith.index_cast %add3A_324 : i32 to index
        %get3A_339 = arith.constant 16 : index
        %get3A_340 = tpu.vector_load %arg13[%get3A_338, %get3A_339] {strides = array<i32>} : memref<128x128xf32, #tpu.memory_space<vmem>>, vector<1x16xf32>,
        %get3A_341 = vector.shape_cast %get3A_340 : vector<1x16xf32> to vector<16xf32>
        %mul3A_342 = arith.mulf %get3A_337, %get3A_341 : vector<16xf32>
        %add3A_343 = arith.addf %mul3A_333, %mul3A_342 : vector<16xf32>
        %get3A_344 = arith.index_cast %add3A_324 : i32 to index
        %get3A_345 = arith.constant 32 : index
        %get3A_346 = tpu.vector_load %arg11[%get3A_344, %get3A_345] {strides = array<i32>} : memref<128x128xf32, #tpu.memory_space<vmem>>, vector<1x16xf32>,
        %get3A_347 = vector.shape_cast %get3A_346 : vector<1x16xf32> to vector<16xf32>
        %get3A_348 = arith.index_cast %add3A_324 : i32 to index
        %get3A_349 = arith.constant 32 : index
        %get3A_350 = tpu.vector_load %arg13[%get3A_348, %get3A_349] {strides = array<i32>} : memref<128x128xf32, #tpu.memory_space<vmem>>, vector<1x16xf32>,
        %get3A_351 = vector.shape_cast %get3A_350 : vector<1x16xf32> to vector<16xf32>
        %mul3A_352 = arith.mulf %get3A_347, %get3A_351 : vector<16xf32>
        %add3A_353 = arith.addf %add3A_343, %mul3A_352 : vector<16xf32>
        %get3A_354 = arith.index_cast %add3A_324 : i32 to index
        %get3A_355 = arith.constant 48 : index
        %get3A_356 = tpu.vector_load %arg11[%get3A_354, %get3A_355] {strides = array<i32>} : memref<128x128xf32, #tpu.memory_space<vmem>>, vector<1x16xf32>,
        %get3A_357 = vector.shape_cast %get3A_356 : vector<1x16xf32> to vector<16xf32>
        %get3A_358 = arith.index_cast %add3A_324 : i32 to index
        %get3A_359 = arith.constant 48 : index
        %get3A_360 = tpu.vector_load %arg13[%get3A_358, %get3A_359] {strides = array<i32>} : memref<128x128xf32, #tpu.memory_space<vmem>>, vector<1x16xf32>,
        %get3A_361 = vector.shape_cast %get3A_360 : vector<1x16xf32> to vector<16xf32>
        %mul3A_362 = arith.mulf %get3A_357, %get3A_361 : vector<16xf32>
        %add3A_363 = arith.addf %add3A_353, %mul3A_362 : vector<16xf32>
        %get3A_364 = arith.index_cast %add3A_324 : i32 to index
        %get3A_365 = arith.constant 64 : index
        %get3A_366 = tpu.vector_load %arg11[%get3A_364, %get3A_365] {strides = array<i32>} : memref<128x128xf32, #tpu.memory_space<vmem>>, vector<1x16xf32>,
        %get3A_367 = vector.shape_cast %get3A_366 : vector<1x16xf32> to vector<16xf32>
        %get3A_368 = arith.index_cast %add3A_324 : i32 to index
        %get3A_369 = arith.constant 64 : index
        %get3A_370 = tpu.vector_load %arg13[%get3A_368, %get3A_369] {strides = array<i32>} : memref<128x128xf32, #tpu.memory_space<vmem>>, vector<1x16xf32>,
        %get3A_371 = vector.shape_cast %get3A_370 : vector<1x16xf32> to vector<16xf32>
        %mul3A_372 = arith.mulf %get3A_367, %get3A_371 : vector<16xf32>
        %add3A_373 = arith.addf %add3A_363, %mul3A_372 : vector<16xf32>
        %get3A_374 = arith.index_cast %add3A_324 : i32 to index
        %get3A_375 = arith.constant 80 : index
        %get3A_376 = tpu.vector_load %arg11[%get3A_374, %get3A_375] {strides = array<i32>} : memref<128x128xf32, #tpu.memory_space<vmem>>, vector<1x16xf32>,
        %get3A_377 = vector.shape_cast %get3A_376 : vector<1x16xf32> to vector<16xf32>
        %get3A_378 = arith.index_cast %add3A_324 : i32 to index
        %get3A_379 = arith.constant 80 : index
        %get3A_380 = tpu.vector_load %arg13[%get3A_378, %get3A_379] {strides = array<i32>} : memref<128x128xf32, #tpu.memory_space<vmem>>, vector<1x16xf32>,
        %get3A_381 = vector.shape_cast %get3A_380 : vector<1x16xf32> to vector<16xf32>
        %mul3A_382 = arith.mulf %get3A_377, %get3A_381 : vector<16xf32>
        %add3A_383 = arith.addf %add3A_373, %mul3A_382 : vector<16xf32>
        %get3A_384 = arith.index_cast %add3A_324 : i32 to index
        %get3A_385 = arith.constant 96 : index
        %get3A_386 = tpu.vector_load %arg11[%get3A_384, %get3A_385] {strides = array<i32>} : memref<128x128xf32, #tpu.memory_space<vmem>>, vector<1x16xf32>,
        %get3A_387 = vector.shape_cast %get3A_386 : vector<1x16xf32> to vector<16xf32>
        %get3A_388 = arith.index_cast %add3A_324 : i32 to index
        %get3A_389 = arith.constant 96 : index
        %get3A_390 = tpu.vector_load %arg13[%get3A_388, %get3A_389] {strides = array<i32>} : memref<128x128xf32, #tpu.memory_space<vmem>>, vector<1x16xf32>,
        %get3A_391 = vector.shape_cast %get3A_390 : vector<1x16xf32> to vector<16xf32>
        %mul3A_392 = arith.mulf %get3A_387, %get3A_391 : vector<16xf32>
        %add3A_393 = arith.addf %add3A_383, %mul3A_392 : vector<16xf32>
        %get3A_394 = arith.index_cast %add3A_324 : i32 to index
        %get3A_395 = arith.constant 112 : index
        %get3A_396 = tpu.vector_load %arg11[%get3A_394, %get3A_395] {strides = array<i32>} : memref<128x128xf32, #tpu.memory_space<vmem>>, vector<1x16xf32>,
        %get3A_397 = vector.shape_cast %get3A_396 : vector<1x16xf32> to vector<16xf32>
        %get3A_398 = arith.index_cast %add3A_324 : i32 to index
        %get3A_399 = arith.constant 112 : index
        %get3A_400 = tpu.vector_load %arg13[%get3A_398, %get3A_399] {strides = array<i32>} : memref<128x128xf32, #tpu.memory_space<vmem>>, vector<1x16xf32>,
        %get3A_401 = vector.shape_cast %get3A_400 : vector<1x16xf32> to vector<16xf32>
        %mul3A_402 = arith.mulf %get3A_397, %get3A_401 : vector<16xf32>
        %add3A_403 = arith.addf %add3A_393, %mul3A_402 : vector<16xf32>
        %slice3A = vector.extract_strided_slice %add3A_403 {offsets = [0], sizes = [1], strides = [1]} : vector<16xf32> to vector<1xf32>
        %squeeze3A = vector.extract %slice3A[0] : f32 from vector<1xf32>
        %slice3A_404 = vector.extract_strided_slice %add3A_403 {offsets = [1], sizes = [1], strides = [1]} : vector<16xf32> to vector<1xf32>
        %squeeze3A_405 = vector.extract %slice3A_404[0] : f32 from vector<1xf32>
        %add3A_406 = arith.addf %squeeze3A, %squeeze3A_405 : f32
        %slice3A_407 = vector.extract_strided_slice %add3A_403 {offsets = [2], sizes = [1], strides = [1]} : vector<16xf32> to vector<1xf32>
        %squeeze3A_408 = vector.extract %slice3A_407[0] : f32 from vector<1xf32>
        %slice3A_409 = vector.extract_strided_slice %add3A_403 {offsets = [3], sizes = [1], strides = [1]} : vector<16xf32> to vector<1xf32>
        %squeeze3A_410 = vector.extract %slice3A_409[0] : f32 from vector<1xf32>
        %add3A_411 = arith.addf %squeeze3A_408, %squeeze3A_410 : f32
        %add3A_412 = arith.addf %add3A_406, %add3A_411 : f32
        %slice3A_413 = vector.extract_strided_slice %add3A_403 {offsets = [4], sizes = [1], strides = [1]} : vector<16xf32> to vector<1xf32>
        %squeeze3A_414 = vector.extract %slice3A_413[0] : f32 from vector<1xf32>
        %slice3A_415 = vector.extract_strided_slice %add3A_403 {offsets = [5], sizes = [1], strides = [1]} : vector<16xf32> to vector<1xf32>
        %squeeze3A_416 = vector.extract %slice3A_415[0] : f32 from vector<1xf32>
        %add3A_417 = arith.addf %squeeze3A_414, %squeeze3A_416 : f32
        %slice3A_418 = vector.extract_strided_slice %add3A_403 {offsets = [6], sizes = [1], strides = [1]} : vector<16xf32> to vector<1xf32>
        %squeeze3A_419 = vector.extract %slice3A_418[0] : f32 from vector<1xf32>
        %slice3A_420 = vector.extract_strided_slice %add3A_403 {offsets = [7], sizes = [1], strides = [1]} : vector<16xf32> to vector<1xf32>
        %squeeze3A_421 = vector.extract %slice3A_420[0] : f32 from vector<1xf32>
        %add3A_422 = arith.addf %squeeze3A_419, %squeeze3A_421 : f32
        %add3A_423 = arith.addf %add3A_417, %add3A_422 : f32
        %slice3A_424 = vector.extract_strided_slice %add3A_403 {offsets = [8], sizes = [1], strides = [1]} : vector<16xf32> to vector<1xf32>
        %squeeze3A_425 = vector.extract %slice3A_424[0] : f32 from vector<1xf32>
        %slice3A_426 = vector.extract_strided_slice %add3A_403 {offsets = [9], sizes = [1], strides = [1]} : vector<16xf32> to vector<1xf32>
        %squeeze3A_427 = vector.extract %slice3A_426[0] : f32 from vector<1xf32>
        %add3A_428 = arith.addf %squeeze3A_425, %squeeze3A_427 : f32
        %slice3A_429 = vector.extract_strided_slice %add3A_403 {offsets = [10], sizes = [1], strides = [1]} : vector<16xf32> to vector<1xf32>
        %squeeze3A_430 = vector.extract %slice3A_429[0] : f32 from vector<1xf32>
        %slice3A_431 = vector.extract_strided_slice %add3A_403 {offsets = [11], sizes = [1], strides = [1]} : vector<16xf32> to vector<1xf32>
        %squeeze3A_432 = vector.extract %slice3A_431[0] : f32 from vector<1xf32>
        %add3A_433 = arith.addf %squeeze3A_430, %squeeze3A_432 : f32
        %add3A_434 = arith.addf %add3A_428, %add3A_433 : f32
        %slice3A_435 = vector.extract_strided_slice %add3A_403 {offsets = [12], sizes = [1], strides = [1]} : vector<16xf32> to vector<1xf32>
        %squeeze3A_436 = vector.extract %slice3A_435[0] : f32 from vector<1xf32>
        %slice3A_437 = vector.extract_strided_slice %add3A_403 {offsets = [13], sizes = [1], strides = [1]} : vector<16xf32> to vector<1xf32>
        %squeeze3A_438 = vector.extract %slice3A_437[0] : f32 from vector<1xf32>
        %add3A_439 = arith.addf %squeeze3A_436, %squeeze3A_438 : f32
        %slice3A_440 = vector.extract_strided_slice %add3A_403 {offsets = [14], sizes = [1], strides = [1]} : vector<16xf32> to vector<1xf32>
        %squeeze3A_441 = vector.extract %slice3A_440[0] : f32 from vector<1xf32>
        %slice3A_442 = vector.extract_strided_slice %add3A_403 {offsets = [15], sizes = [1], strides = [1]} : vector<16xf32> to vector<1xf32>
        %squeeze3A_443 = vector.extract %slice3A_442[0] : f32 from vector<1xf32>
        %add3A_444 = arith.addf %squeeze3A_441, %squeeze3A_443 : f32
        %add3A_445 = arith.addf %add3A_439, %add3A_444 : f32
        %add3A_446 = arith.addf %add3A_412, %add3A_423 : f32
        %add3A_447 = arith.addf %add3A_434, %add3A_445 : f32
        %add3A_448 = arith.addf %add3A_446, %add3A_447 : f32
        %eq3A = vector.broadcast %scan3A_320 : i32 to vector<16xi32>
        %eq3A_449 = arith.cmpi eq, %iota3A, %eq3A : vector<16xi32>
        %broadcast_in_dim3A_450 = vector.broadcast %add3A_448 : f32 to vector<16xf32>
        %select_n3A = arith.select %eq3A_449, %broadcast_in_dim3A_450, %scan3A_321 : vector<16xi1>, vector<16xf32>
        scf.yield %select_n3A : vector<16xf32>
      }
      %scan3A_296 = arith.constant 16 : i32
      %mul3A_297 = arith.constant 16 : i32
      %mul3A_298 = arith.muli %scan3A_288, %mul3A_297 : i32
      %mul3A_299 = arith.constant 16 : i32
      %mul3A_300 = arith.muli %scan3A_288, %mul3A_299 : i32
      %add3A_301 = arith.constant 256 : i32
      %add3A_302 = arith.addi %add3A_301, %mul3A_300 : i32
      %get3A = arith.constant 0 : i32
      %get3A_303 = arith.index_cast %get3A : i32 to index
      %get3A_304 = arith.index_cast %add3A_302 : i32 to index
      %get3A_305 = tpu.vector_load %arg15[%get3A_303, %get3A_304] {strides = array<i32>} : memref<1x512xf32, #tpu.memory_space<vmem>>, vector<1x16xf32>,
      %get3A_306 = vector.shape_cast %get3A_305 : vector<1x16xf32> to vector<16xf32>
      %add3A_307 = arith.addf %scan3A_295, %get3A_306 : vector<16xf32>
      %get3A_308 = arith.constant 0 : i32
      %get3A_309 = arith.index_cast %get3A_308 : i32 to index
      %get3A_310 = arith.index_cast %add3A_302 : i32 to index
      %get3A_311 = tpu.vector_load %arg16[%get3A_309, %get3A_310] {strides = array<i32>} : memref<1x512xf32, #tpu.memory_space<vmem>>, vector<1x16xf32>,
      %get3A_312 = vector.shape_cast %get3A_311 : vector<1x16xf32> to vector<16xf32>
      %add3A_313 = arith.addf %add3A_307, %get3A_312 : vector<16xf32>
      %swap3A = arith.constant 2 : i32
      %swap3A_314 = arith.index_cast %swap3A : i32 to index
      %swap3A_315 = arith.index_cast %mul3A_298 : i32 to index
      %swap3A_316 = tpu.vector_load %arg17[%swap3A_314, %swap3A_315] {strides = array<i32>} : memref<4x128xf32, #tpu.memory_space<vmem>>, vector<1x16xf32>,
      %swap3A_317 = vector.shape_cast %swap3A_316 : vector<1x16xf32> to vector<16xf32>
      %swap3A_318 = vector.shape_cast %add3A_313 : vector<16xf32> to vector<1x16xf32>
      tpu.vector_store %arg17[%swap3A_314, %swap3A_315], %swap3A_318 {strides = array<i32>} : memref<4x128xf32, #tpu.memory_space<vmem>>, vector<1x16xf32>,
      %scan3A_319 = arith.constant 0 : i32
      scf.yield %scan3A_319 : i32
    }
    %scan3A_264 = arith.constant 8 : i32
    %dma_wait3A_265 = arith.constant 3 : i32
    %dma_wait3A_266 = arith.constant 0 : i32
    %dma_wait3A_267 = tpu.memref_slice %arg9[%dma_wait3A_265, %dma_wait3A_266] : memref<4x128xi32, #tpu.memory_space<vmem>> -> memref<1x128xi32, #tpu.memory_space<vmem>>
    %dma_wait3A_268 = tpu.memref_squeeze %dma_wait3A_267 : memref<1x128xi32, #tpu.memory_space<vmem>> -> memref<128xi32, #tpu.memory_space<vmem>>
    %dma_wait3A_269 = arith.constant 0 : i32
    %dma_wait3A_270 = arith.constant 0 : i32
    %dma_wait3A_271 = tpu.memref_slice %arg4[%dma_wait3A_269, %dma_wait3A_270] : memref<100000x128xf32, #tpu.memory_space<hbm>> -> memref<100000x128xf32, #tpu.memory_space<hbm>>
    tpu.wait_indirect_dma semaphore(%arg19 : memref<!tpu.dma_semaphore, #tpu.memory_space<semaphore_mem>>) src(%dma_wait3A_271 : memref<100000x128xf32, #tpu.memory_space<hbm>>) dst(%arg12 : memref<128x128xf32, #tpu.memory_space<vmem>>)
    %dma_wait3A_272 = arith.constant 3 : i32
    %dma_wait3A_273 = arith.constant 0 : i32
    %dma_wait3A_274 = tpu.memref_slice %arg10[%dma_wait3A_272, %dma_wait3A_273] : memref<4x128xi32, #tpu.memory_space<vmem>> -> memref<1x128xi32, #tpu.memory_space<vmem>>
    %dma_wait3A_275 = tpu.memref_squeeze %dma_wait3A_274 : memref<1x128xi32, #tpu.memory_space<vmem>> -> memref<128xi32, #tpu.memory_space<vmem>>
    %dma_wait3A_276 = arith.constant 0 : i32
    %dma_wait3A_277 = arith.constant 0 : i32
    %dma_wait3A_278 = tpu.memref_slice %arg5[%dma_wait3A_276, %dma_wait3A_277] : memref<1000000x128xf32, #tpu.memory_space<hbm>> -> memref<1000000x128xf32, #tpu.memory_space<hbm>>
    tpu.wait_indirect_dma semaphore(%arg19 : memref<!tpu.dma_semaphore, #tpu.memory_space<semaphore_mem>>) src(%dma_wait3A_278 : memref<1000000x128xf32, #tpu.memory_space<hbm>>) dst(%arg14 : memref<128x128xf32, #tpu.memory_space<vmem>>)
    %scan3A_279 = arith.constant 0 : i32
    %scan3A_280 = arith.constant 0 : i32
    %scan3A_281 = arith.constant 8 : i32
    %scan3A_282 = arith.addi %scan3A_280, %scan3A_281 : i32
    %scan3A_283 = arith.constant 1 : i32
    %scan3A_284 = scf.for %scan3A_288 = %scan3A_280 to %scan3A_282 step %scan3A_283 iter_args(%scan3A_289 = %scan3A_279) -> (i32)  : i32 {
      %broadcast_in_dim3A = arith.constant 0.000000e+00 : f32
      %broadcast_in_dim3A_290 = vector.broadcast %broadcast_in_dim3A : f32 to vector<16xf32>
      %scan3A_291 = arith.constant 0 : i32
      %scan3A_292 = arith.constant 16 : i32
      %scan3A_293 = arith.addi %scan3A_291, %scan3A_292 : i32
      %scan3A_294 = arith.constant 1 : i32
      %scan3A_295 = scf.for %scan3A_320 = %scan3A_291 to %scan3A_293 step %scan3A_294 iter_args(%scan3A_321 = %broadcast_in_dim3A_290) -> (vector<16xf32>)  : i32 {
        %mul3A_322 = arith.constant 16 : i32
        %mul3A_323 = arith.muli %scan3A_288, %mul3A_322 : i32
        %add3A_324 = arith.addi %mul3A_323, %scan3A_320 : i32
        %get3A_325 = arith.index_cast %add3A_324 : i32 to index
        %get3A_326 = arith.constant 0 : index
        %get3A_327 = tpu.vector_load %arg12[%get3A_325, %get3A_326] {strides = array<i32>} : memref<128x128xf32, #tpu.memory_space<vmem>>, vector<1x16xf32>,
        %get3A_328 = vector.shape_cast %get3A_327 : vector<1x16xf32> to vector<16xf32>
        %get3A_329 = arith.index_cast %add3A_324 : i32 to index
        %get3A_330 = arith.constant 0 : index
        %get3A_331 = tpu.vector_load %arg14[%get3A_329, %get3A_330] {strides = array<i32>} : memref<128x128xf32, #tpu.memory_space<vmem>>, vector<1x16xf32>,
        %get3A_332 = vector.shape_cast %get3A_331 : vector<1x16xf32> to vector<16xf32>
        %mul3A_333 = arith.mulf %get3A_328, %get3A_332 : vector<16xf32>
        %get3A_334 = arith.index_cast %add3A_324 : i32 to index
        %get3A_335 = arith.constant 16 : index
        %get3A_336 = tpu.vector_load %arg12[%get3A_334, %get3A_335] {strides = array<i32>} : memref<128x128xf32, #tpu.memory_space<vmem>>, vector<1x16xf32>,
        %get3A_337 = vector.shape_cast %get3A_336 : vector<1x16xf32> to vector<16xf32>
        %get3A_338 = arith.index_cast %add3A_324 : i32 to index
        %get3A_339 = arith.constant 16 : index
        %get3A_340 = tpu.vector_load %arg14[%get3A_338, %get3A_339] {strides = array<i32>} : memref<128x128xf32, #tpu.memory_space<vmem>>, vector<1x16xf32>,
        %get3A_341 = vector.shape_cast %get3A_340 : vector<1x16xf32> to vector<16xf32>
        %mul3A_342 = arith.mulf %get3A_337, %get3A_341 : vector<16xf32>
        %add3A_343 = arith.addf %mul3A_333, %mul3A_342 : vector<16xf32>
        %get3A_344 = arith.index_cast %add3A_324 : i32 to index
        %get3A_345 = arith.constant 32 : index
        %get3A_346 = tpu.vector_load %arg12[%get3A_344, %get3A_345] {strides = array<i32>} : memref<128x128xf32, #tpu.memory_space<vmem>>, vector<1x16xf32>,
        %get3A_347 = vector.shape_cast %get3A_346 : vector<1x16xf32> to vector<16xf32>
        %get3A_348 = arith.index_cast %add3A_324 : i32 to index
        %get3A_349 = arith.constant 32 : index
        %get3A_350 = tpu.vector_load %arg14[%get3A_348, %get3A_349] {strides = array<i32>} : memref<128x128xf32, #tpu.memory_space<vmem>>, vector<1x16xf32>,
        %get3A_351 = vector.shape_cast %get3A_350 : vector<1x16xf32> to vector<16xf32>
        %mul3A_352 = arith.mulf %get3A_347, %get3A_351 : vector<16xf32>
        %add3A_353 = arith.addf %add3A_343, %mul3A_352 : vector<16xf32>
        %get3A_354 = arith.index_cast %add3A_324 : i32 to index
        %get3A_355 = arith.constant 48 : index
        %get3A_356 = tpu.vector_load %arg12[%get3A_354, %get3A_355] {strides = array<i32>} : memref<128x128xf32, #tpu.memory_space<vmem>>, vector<1x16xf32>,
        %get3A_357 = vector.shape_cast %get3A_356 : vector<1x16xf32> to vector<16xf32>
        %get3A_358 = arith.index_cast %add3A_324 : i32 to index
        %get3A_359 = arith.constant 48 : index
        %get3A_360 = tpu.vector_load %arg14[%get3A_358, %get3A_359] {strides = array<i32>} : memref<128x128xf32, #tpu.memory_space<vmem>>, vector<1x16xf32>,
        %get3A_361 = vector.shape_cast %get3A_360 : vector<1x16xf32> to vector<16xf32>
        %mul3A_362 = arith.mulf %get3A_357, %get3A_361 : vector<16xf32>
        %add3A_363 = arith.addf %add3A_353, %mul3A_362 : vector<16xf32>
        %get3A_364 = arith.index_cast %add3A_324 : i32 to index
        %get3A_365 = arith.constant 64 : index
        %get3A_366 = tpu.vector_load %arg12[%get3A_364, %get3A_365] {strides = array<i32>} : memref<128x128xf32, #tpu.memory_space<vmem>>, vector<1x16xf32>,
        %get3A_367 = vector.shape_cast %get3A_366 : vector<1x16xf32> to vector<16xf32>
        %get3A_368 = arith.index_cast %add3A_324 : i32 to index
        %get3A_369 = arith.constant 64 : index
        %get3A_370 = tpu.vector_load %arg14[%get3A_368, %get3A_369] {strides = array<i32>} : memref<128x128xf32, #tpu.memory_space<vmem>>, vector<1x16xf32>,
        %get3A_371 = vector.shape_cast %get3A_370 : vector<1x16xf32> to vector<16xf32>
        %mul3A_372 = arith.mulf %get3A_367, %get3A_371 : vector<16xf32>
        %add3A_373 = arith.addf %add3A_363, %mul3A_372 : vector<16xf32>
        %get3A_374 = arith.index_cast %add3A_324 : i32 to index
        %get3A_375 = arith.constant 80 : index
        %get3A_376 = tpu.vector_load %arg12[%get3A_374, %get3A_375] {strides = array<i32>} : memref<128x128xf32, #tpu.memory_space<vmem>>, vector<1x16xf32>,
        %get3A_377 = vector.shape_cast %get3A_376 : vector<1x16xf32> to vector<16xf32>
        %get3A_378 = arith.index_cast %add3A_324 : i32 to index
        %get3A_379 = arith.constant 80 : index
        %get3A_380 = tpu.vector_load %arg14[%get3A_378, %get3A_379] {strides = array<i32>} : memref<128x128xf32, #tpu.memory_space<vmem>>, vector<1x16xf32>,
        %get3A_381 = vector.shape_cast %get3A_380 : vector<1x16xf32> to vector<16xf32>
        %mul3A_382 = arith.mulf %get3A_377, %get3A_381 : vector<16xf32>
        %add3A_383 = arith.addf %add3A_373, %mul3A_382 : vector<16xf32>
        %get3A_384 = arith.index_cast %add3A_324 : i32 to index
        %get3A_385 = arith.constant 96 : index
        %get3A_386 = tpu.vector_load %arg12[%get3A_384, %get3A_385] {strides = array<i32>} : memref<128x128xf32, #tpu.memory_space<vmem>>, vector<1x16xf32>,
        %get3A_387 = vector.shape_cast %get3A_386 : vector<1x16xf32> to vector<16xf32>
        %get3A_388 = arith.index_cast %add3A_324 : i32 to index
        %get3A_389 = arith.constant 96 : index
        %get3A_390 = tpu.vector_load %arg14[%get3A_388, %get3A_389] {strides = array<i32>} : memref<128x128xf32, #tpu.memory_space<vmem>>, vector<1x16xf32>,
        %get3A_391 = vector.shape_cast %get3A_390 : vector<1x16xf32> to vector<16xf32>
        %mul3A_392 = arith.mulf %get3A_387, %get3A_391 : vector<16xf32>
        %add3A_393 = arith.addf %add3A_383, %mul3A_392 : vector<16xf32>
        %get3A_394 = arith.index_cast %add3A_324 : i32 to index
        %get3A_395 = arith.constant 112 : index
        %get3A_396 = tpu.vector_load %arg12[%get3A_394, %get3A_395] {strides = array<i32>} : memref<128x128xf32, #tpu.memory_space<vmem>>, vector<1x16xf32>,
        %get3A_397 = vector.shape_cast %get3A_396 : vector<1x16xf32> to vector<16xf32>
        %get3A_398 = arith.index_cast %add3A_324 : i32 to index
        %get3A_399 = arith.constant 112 : index
        %get3A_400 = tpu.vector_load %arg14[%get3A_398, %get3A_399] {strides = array<i32>} : memref<128x128xf32, #tpu.memory_space<vmem>>, vector<1x16xf32>,
        %get3A_401 = vector.shape_cast %get3A_400 : vector<1x16xf32> to vector<16xf32>
        %mul3A_402 = arith.mulf %get3A_397, %get3A_401 : vector<16xf32>
        %add3A_403 = arith.addf %add3A_393, %mul3A_402 : vector<16xf32>
        %slice3A = vector.extract_strided_slice %add3A_403 {offsets = [0], sizes = [1], strides = [1]} : vector<16xf32> to vector<1xf32>
        %squeeze3A = vector.extract %slice3A[0] : f32 from vector<1xf32>
        %slice3A_404 = vector.extract_strided_slice %add3A_403 {offsets = [1], sizes = [1], strides = [1]} : vector<16xf32> to vector<1xf32>
        %squeeze3A_405 = vector.extract %slice3A_404[0] : f32 from vector<1xf32>
        %add3A_406 = arith.addf %squeeze3A, %squeeze3A_405 : f32
        %slice3A_407 = vector.extract_strided_slice %add3A_403 {offsets = [2], sizes = [1], strides = [1]} : vector<16xf32> to vector<1xf32>
        %squeeze3A_408 = vector.extract %slice3A_407[0] : f32 from vector<1xf32>
        %slice3A_409 = vector.extract_strided_slice %add3A_403 {offsets = [3], sizes = [1], strides = [1]} : vector<16xf32> to vector<1xf32>
        %squeeze3A_410 = vector.extract %slice3A_409[0] : f32 from vector<1xf32>
        %add3A_411 = arith.addf %squeeze3A_408, %squeeze3A_410 : f32
        %add3A_412 = arith.addf %add3A_406, %add3A_411 : f32
        %slice3A_413 = vector.extract_strided_slice %add3A_403 {offsets = [4], sizes = [1], strides = [1]} : vector<16xf32> to vector<1xf32>
        %squeeze3A_414 = vector.extract %slice3A_413[0] : f32 from vector<1xf32>
        %slice3A_415 = vector.extract_strided_slice %add3A_403 {offsets = [5], sizes = [1], strides = [1]} : vector<16xf32> to vector<1xf32>
        %squeeze3A_416 = vector.extract %slice3A_415[0] : f32 from vector<1xf32>
        %add3A_417 = arith.addf %squeeze3A_414, %squeeze3A_416 : f32
        %slice3A_418 = vector.extract_strided_slice %add3A_403 {offsets = [6], sizes = [1], strides = [1]} : vector<16xf32> to vector<1xf32>
        %squeeze3A_419 = vector.extract %slice3A_418[0] : f32 from vector<1xf32>
        %slice3A_420 = vector.extract_strided_slice %add3A_403 {offsets = [7], sizes = [1], strides = [1]} : vector<16xf32> to vector<1xf32>
        %squeeze3A_421 = vector.extract %slice3A_420[0] : f32 from vector<1xf32>
        %add3A_422 = arith.addf %squeeze3A_419, %squeeze3A_421 : f32
        %add3A_423 = arith.addf %add3A_417, %add3A_422 : f32
        %slice3A_424 = vector.extract_strided_slice %add3A_403 {offsets = [8], sizes = [1], strides = [1]} : vector<16xf32> to vector<1xf32>
        %squeeze3A_425 = vector.extract %slice3A_424[0] : f32 from vector<1xf32>
        %slice3A_426 = vector.extract_strided_slice %add3A_403 {offsets = [9], sizes = [1], strides = [1]} : vector<16xf32> to vector<1xf32>
        %squeeze3A_427 = vector.extract %slice3A_426[0] : f32 from vector<1xf32>
        %add3A_428 = arith.addf %squeeze3A_425, %squeeze3A_427 : f32
        %slice3A_429 = vector.extract_strided_slice %add3A_403 {offsets = [10], sizes = [1], strides = [1]} : vector<16xf32> to vector<1xf32>
        %squeeze3A_430 = vector.extract %slice3A_429[0] : f32 from vector<1xf32>
        %slice3A_431 = vector.extract_strided_slice %add3A_403 {offsets = [11], sizes = [1], strides = [1]} : vector<16xf32> to vector<1xf32>
        %squeeze3A_432 = vector.extract %slice3A_431[0] : f32 from vector<1xf32>
        %add3A_433 = arith.addf %squeeze3A_430, %squeeze3A_432 : f32
        %add3A_434 = arith.addf %add3A_428, %add3A_433 : f32
        %slice3A_435 = vector.extract_strided_slice %add3A_403 {offsets = [12], sizes = [1], strides = [1]} : vector<16xf32> to vector<1xf32>
        %squeeze3A_436 = vector.extract %slice3A_435[0] : f32 from vector<1xf32>
        %slice3A_437 = vector.extract_strided_slice %add3A_403 {offsets = [13], sizes = [1], strides = [1]} : vector<16xf32> to vector<1xf32>
        %squeeze3A_438 = vector.extract %slice3A_437[0] : f32 from vector<1xf32>
        %add3A_439 = arith.addf %squeeze3A_436, %squeeze3A_438 : f32
        %slice3A_440 = vector.extract_strided_slice %add3A_403 {offsets = [14], sizes = [1], strides = [1]} : vector<16xf32> to vector<1xf32>
        %squeeze3A_441 = vector.extract %slice3A_440[0] : f32 from vector<1xf32>
        %slice3A_442 = vector.extract_strided_slice %add3A_403 {offsets = [15], sizes = [1], strides = [1]} : vector<16xf32> to vector<1xf32>
        %squeeze3A_443 = vector.extract %slice3A_442[0] : f32 from vector<1xf32>
        %add3A_444 = arith.addf %squeeze3A_441, %squeeze3A_443 : f32
        %add3A_445 = arith.addf %add3A_439, %add3A_444 : f32
        %add3A_446 = arith.addf %add3A_412, %add3A_423 : f32
        %add3A_447 = arith.addf %add3A_434, %add3A_445 : f32
        %add3A_448 = arith.addf %add3A_446, %add3A_447 : f32
        %eq3A = vector.broadcast %scan3A_320 : i32 to vector<16xi32>
        %eq3A_449 = arith.cmpi eq, %iota3A, %eq3A : vector<16xi32>
        %broadcast_in_dim3A_450 = vector.broadcast %add3A_448 : f32 to vector<16xf32>
        %select_n3A = arith.select %eq3A_449, %broadcast_in_dim3A_450, %scan3A_321 : vector<16xi1>, vector<16xf32>
        scf.yield %select_n3A : vector<16xf32>
      }
      %scan3A_296 = arith.constant 16 : i32
      %mul3A_297 = arith.constant 16 : i32
      %mul3A_298 = arith.muli %scan3A_288, %mul3A_297 : i32
      %mul3A_299 = arith.constant 16 : i32
      %mul3A_300 = arith.muli %scan3A_288, %mul3A_299 : i32
      %add3A_301 = arith.constant 384 : i32
      %add3A_302 = arith.addi %add3A_301, %mul3A_300 : i32
      %get3A = arith.constant 0 : i32
      %get3A_303 = arith.index_cast %get3A : i32 to index
      %get3A_304 = arith.index_cast %add3A_302 : i32 to index
      %get3A_305 = tpu.vector_load %arg15[%get3A_303, %get3A_304] {strides = array<i32>} : memref<1x512xf32, #tpu.memory_space<vmem>>, vector<1x16xf32>,
      %get3A_306 = vector.shape_cast %get3A_305 : vector<1x16xf32> to vector<16xf32>
      %add3A_307 = arith.addf %scan3A_295, %get3A_306 : vector<16xf32>
      %get3A_308 = arith.constant 0 : i32
      %get3A_309 = arith.index_cast %get3A_308 : i32 to index
      %get3A_310 = arith.index_cast %add3A_302 : i32 to index
      %get3A_311 = tpu.vector_load %arg16[%get3A_309, %get3A_310] {strides = array<i32>} : memref<1x512xf32, #tpu.memory_space<vmem>>, vector<1x16xf32>,
      %get3A_312 = vector.shape_cast %get3A_311 : vector<1x16xf32> to vector<16xf32>
      %add3A_313 = arith.addf %add3A_307, %get3A_312 : vector<16xf32>
      %swap3A = arith.constant 3 : i32
      %swap3A_314 = arith.index_cast %swap3A : i32 to index
      %swap3A_315 = arith.index_cast %mul3A_298 : i32 to index
      %swap3A_316 = tpu.vector_load %arg17[%swap3A_314, %swap3A_315] {strides = array<i32>} : memref<4x128xf32, #tpu.memory_space<vmem>>, vector<1x16xf32>,
      %swap3A_317 = vector.shape_cast %swap3A_316 : vector<1x16xf32> to vector<16xf32>
      %swap3A_318 = vector.shape_cast %add3A_313 : vector<16xf32> to vector<1x16xf32>
      tpu.vector_store %arg17[%swap3A_314, %swap3A_315], %swap3A_318 {strides = array<i32>} : memref<4x128xf32, #tpu.memory_space<vmem>>, vector<1x16xf32>,
      %scan3A_319 = arith.constant 0 : i32
      scf.yield %scan3A_319 : i32
    }
    %scan3A_285 = arith.constant 8 : i32
    %mul3A_286 = arith.constant 4 : i32
    %mul3A_287 = arith.muli %add3A, %mul3A_286 : i32
    "tpu.region"() ({
      %run_scoped3A = tpu.sem_alloc : memref<!tpu.dma_semaphore, #tpu.memory_space<semaphore_mem>>
      %dma_start3A_288 = arith.constant 0 : i32
      %dma_start3A_289 = tpu.memref_slice %arg8[%mul3A_287, %dma_start3A_288] : memref<128x128xf32, #tpu.memory_space<hbm>> -> memref<4x128xf32, #tpu.memory_space<hbm>>
      %dma_start3A_290 = arith.constant 0 : i32
      %dma_start3A_291 = tpu.memref_slice %arg8[%mul3A_287, %dma_start3A_290] : memref<128x128xf32, #tpu.memory_space<hbm>> -> memref<4x128xf32, #tpu.memory_space<hbm>>
      tpu.enqueue_dma source(%arg17 : memref<4x128xf32, #tpu.memory_space<vmem>>) target(%dma_start3A_291 : memref<4x128xf32, #tpu.memory_space<hbm>>) target_semaphore(%run_scoped3A : memref<!tpu.dma_semaphore, #tpu.memory_space<semaphore_mem>>)
      %dma_wait3A_292 = arith.constant 0 : i32
      %dma_wait3A_293 = tpu.memref_slice %arg8[%mul3A_287, %dma_wait3A_292] : memref<128x128xf32, #tpu.memory_space<hbm>> -> memref<4x128xf32, #tpu.memory_space<hbm>>
      %dma_wait3A_294 = arith.constant 0 : i32
      %dma_wait3A_295 = tpu.memref_slice %arg8[%mul3A_287, %dma_wait3A_294] : memref<128x128xf32, #tpu.memory_space<hbm>> -> memref<4x128xf32, #tpu.memory_space<hbm>>
      tpu.wait_dma2 semaphore(%run_scoped3A : memref<!tpu.dma_semaphore, #tpu.memory_space<semaphore_mem>>) src(%arg17 : memref<4x128xf32, #tpu.memory_space<vmem>>) dst(%dma_wait3A_295 : memref<4x128xf32, #tpu.memory_space<hbm>>)
      tpu.yield
    }) : () -> ()
    return
  }
}

</mosaic_0001>

<sc_bundles>
// kernel: kernel.3.cloned.1.call-start
scs
__scs_entry_jumppad:
0x0: {  	(pc) =	sbr.rel $0x88, $3  }
0x1: {  	(tag) =	ssettag $0x0;
	lr =	simm.s32 $0x1  }
0x2: {  	[smem:$0x3F9B] =	sst lr;
	_ =	strace $0xD0000000  }
0x3: {  	_ = 	snop  }
0x4: {  	_ = 	snop  }
0x5: {  	_ = 	snop  }
0x6: {  	_ = 	snop  }
0x7: {  	_ = 	snop  }
__scs_overlays_trampoline_lowered:
0x8: {  	[smem:$0x3FAA] =	sst s0  }
0x9: {  	[smem:$0x3FAB] =	sst s1  }
0xa: {  	[smem:$0x3FAC] =	sst s2  }
0xb: {  	[smem:$0x3FAD] =	sst s3  }
0xc: {  	[smem:$0x3FAE] =	sst s4  }
0xd: {  	[smem:$0x3FAF] =	sst s5  }
0xe: {  	[smem:$0x3FB0] =	sst s6  }
0xf: {  	[smem:$0x3FB1] =	sst s7  }
0x10: {  	[smem:$0x3FB2] =	sst s8  }
0x11: {  	[smem:$0x3FB3] =	sst s9;
	s0 =	simm.s32 @!p0 $0x0  }
0x12: {  	s1 =	sld [smem:$0x3F99];
	s0 =	simm.s32 @p0 $0x1  }
0x13: {  	[smem:$0x3FB4] =	sst s0;
	s0 =	simm.s32 @!p1 $0x0  }
0x14: {  	s2 =	sld [smem:$0x3F98];
	s0 =	simm.s32 @p1 $0x1  }
0x15: {  	[smem:$0x3FB5] =	sst s0;
	s0 =	simm.s32 @!p2 $0x0  }
0x16: {  	s3 =	sld [smem:$0x3FDB];
	s0 =	simm.s32 @p2 $0x1  }
0x17: {  	s4 =	simm.s32 $0x1BF5;
	[smem:$0x3FB7] =	sst s0  }
0x18: {  	s0 =	sld [smem:$0x3F9A];
	_ =	swait.ge [sflag:s4], $0x0  }
0x19: {  	s7 =	sld [smem:$0x3F9B]  }
0x1a: {  	s8 =	sadd.s32 $0xFFFFE003, lr  }
0x1b: {  	s9 =	sadd.s32 $0xFFFFFEF7, lr;
	s5 =	simm.s32 $0xFFFFFFFF;
	p2 =	slt.u32 s8, $0xFFFFF086  }
0x1c: {  	p1 =	slt.u32 s9, $0xF7A;
	s5 =	simm.s32 @!p2 $0x0  }
0x1d: {  	s5 =	simm.s32 @p1 $0x1;
	p0 =	seq.s32 s7, s2  }
0x1e: {  	s7 =	smul.u32 @!p0 $0xF7A, s2;
	p2 =	seq.s32 @!p0 s5, $0x0  }
0x1f: {  	s9 =	smul.u32 $0xF7A, s1;
	s8 =	simm.s32 @!p0 $0x1BF5;
	p2 =	por !p2, p0  }
0x20: {  	[sflag:s8] =	ssyncset.s32 @!p0 $0xFFFFF086;
	s6 =	sadd.s32 @!p0 s3, s7;
	s7 =	simm.s32 @!p0 $0x108  }
0x21: {  	s3 =	sadd.s32 s3, s9;
	s6 =	sadd.s32 @!p0 $0x88, s6;
	s7 =	simm.s32 @p2 $0x1082  }
0x22: {  	[simem:s7], [sflag:s8] =	dma.local @!p0 [hbm:s6], $0xF7A  }
0x23: {  	s9 =	sor.u32 $0xD0000000, s2;
	s6 =	simm.s32 $0x108;
	_ =	swait.ge @!p0 [sflag:s8], $0x0  }
0x24: {  	s3 =	sadd.s32 $0x88, s3;
	s6 =	simm.s32 @!p1 $0x1082;
	[sflag:s4] =	ssyncset.s32 $0xFFFFF086  }
0x25: {  	[simem:s6], [sflag:s4] =	dma.local [hbm:s3], $0xF7A  }
0x26: {  	[smem:$0x3F9B] =	sst s1;
	(tag) =	ssettag s2;
	_ =	strace s9  }
0x27: {  	s1 =	sld [smem:$0x3FAB]  }
0x28: {  	s2 =	sld [smem:$0x3FAC]  }
0x29: {  	s4 =	sld [smem:$0x3FAE]  }
0x2a: {  	p0 =	seq.s32 s5, $0x0;
	s5 =	sld [smem:$0x3FAF]  }
0x2b: {  	s6 =	sld [smem:$0x3FB0]  }
0x2c: {  	s7 =	sld [smem:$0x3FB1]  }
0x2d: {  	s3 =	simm.s32 $0x108;
	s8 =	sld [smem:$0x3FB2]  }
0x2e: {  	s3 =	simm.s32 @!p0 $0x1082;
	s9 =	sld [smem:$0x3FB3]  }
0x2f: {  	lr =	sadd.s32 s0, s3;
	s0 =	sld [smem:$0x3FAA]  }
0x30: {  	s3 =	sld [smem:$0x3FAD]  }
0x31: {  	[smem:$0x3FB6] =	sst s10  }
0x32: {  	s10 =	sld [smem:$0x3FB4];
	_ =	sdelay $0x3  }
0x33: {  	p0 =	seq.s32 s10, $0x1;
	s10 =	sld [smem:$0x3FB6];
	_ =	sdelay $0x3  }
0x34: {  	[smem:$0x3FB6] =	sst s10  }
0x35: {  	s10 =	sld [smem:$0x3FB5];
	_ =	sdelay $0x3  }
0x36: {  	p1 =	seq.s32 s10, $0x1;
	s10 =	sld [smem:$0x3FB6];
	_ =	sdelay $0x3  }
0x37: {  	[smem:$0x3FB6] =	sst s10  }
0x38: {  	s10 =	sld [smem:$0x3FB7]  }
0x39: {  	_ = 	snop;
	(pc) =	sbr.ind lr, $3  }
0x3a: {  	_ = 	snop  }
0x3b: {  	_ = 	snop  }
0x3c: {  	p2 =	seq.s32 s10, $0x1;
	s10 =	sld [smem:$0x3FB6]  }
0x3d: {  	_ =	shalt  }
0x3e: {  	_ =	shalt  }
0x3f: {  	_ =	shalt  }
0x40: {  	_ =	shalt  }
0x41: {  	_ =	shalt  }
0x42: {  	_ =	shalt  }
0x43: {  	_ =	shalt  }
0x44: {  	_ =	shalt  }
0x45: {  	_ =	shalt  }
0x46: {  	_ =	shalt  }
0x47: {  	_ =	shalt  }
0x48: {  	_ =	shalt  }
0x49: {  	_ =	shalt  }
0x4a: {  	_ =	shalt  }
0x4b: {  	_ =	shalt  }
0x4c: {  	_ =	shalt  }
0x4d: {  	_ =	shalt  }
0x4e: {  	_ =	shalt  }
0x4f: {  	_ =	shalt  }
0x50: {  	_ =	shalt  }
0x51: {  	_ =	shalt  }
0x52: {  	_ =	shalt  }
0x53: {  	_ =	shalt  }
0x54: {  	_ =	shalt  }
0x55: {  	_ =	shalt  }
0x56: {  	_ =	shalt  }
0x57: {  	_ =	shalt  }
0x58: {  	_ =	shalt  }
0x59: {  	_ =	shalt  }
0x5a: {  	_ =	shalt  }
0x5b: {  	_ =	shalt  }
0x5c: {  	_ =	shalt  }
0x5d: {  	_ =	shalt  }
0x5e: {  	_ =	shalt  }
0x5f: {  	_ =	shalt  }
0x60: {  	_ =	shalt  }
0x61: {  	_ =	shalt  }
0x62: {  	_ =	shalt  }
0x63: {  	_ =	shalt  }
0x64: {  	_ =	shalt  }
0x65: {  	_ =	shalt  }
0x66: {  	_ =	shalt  }
0x67: {  	_ =	shalt  }
0x68: {  	_ =	shalt  }
0x69: {  	_ =	shalt  }
0x6a: {  	_ =	shalt  }
0x6b: {  	_ =	shalt  }
0x6c: {  	_ =	shalt  }
0x6d: {  	_ =	shalt  }
0x6e: {  	_ =	shalt  }
0x6f: {  	_ =	shalt  }
0x70: {  	_ =	shalt  }
0x71: {  	_ =	shalt  }
0x72: {  	_ =	shalt  }
0x73: {  	_ =	shalt  }
0x74: {  	_ =	shalt  }
0x75: {  	_ =	shalt  }
0x76: {  	_ =	shalt  }
0x77: {  	_ =	shalt  }
0x78: {  	_ =	shalt  }
0x79: {  	_ =	shalt  }
0x7a: {  	_ =	shalt  }
0x7b: {  	_ =	shalt  }
0x7c: {  	_ =	shalt  }
0x7d: {  	_ =	shalt  }
0x7e: {  	_ =	shalt  }
0x7f: {  	_ =	shalt  }
0x80: {  	_ =	shalt  }
0x81: {  	_ =	shalt  }
0x82: {  	_ =	shalt  }
0x83: {  	_ =	shalt  }
0x84: {  	_ =	shalt  }
0x85: {  	_ =	shalt  }
0x86: {  	_ =	shalt  }
0x87: {  	_ =	shalt  }
.Lfunc_end0:
.L_simem_size_0:
called_computation_lowered:
.L_overlay_start_0:
0x88: {  	s2 =	sld [smem:$0x3FD9]  }
0x89: {  	s3 =	sld [smem:$0x3FFE];
	_ =	sdelay $0x1  }
0x8a: {  	s1 =	srdreg.scid  }
0x8b: {  	s0 =	sand.u32 $0x1, s1  }
0x8c: {  	s18 =	sshll.u32 s0, $0xA;
	s2 =	sadd.s32 s3, s2  }
0x8d: {  	s2 =	sadd.s32 s2, s18  }
0x8e: {  	[smem:$0x3FC2] =	sst s2  }
0x8f: {  	_ = 	snop  }
0x90: {  	s2 =	sld [smem:$0x3FC9]  }
0x91: {  	s19 =	sld [smem:$0x3FC8]  }
0x92: {  	s4 =	sld [smem:$0x3FC7]  }
0x93: {  	s5 =	sld [smem:$0x3FC6]  }
0x94: {  	s6 =	sld [smem:$0x3FC5]  }
0x95: {  	s7 =	sld [smem:$0x3FC4]  }
0x96: {  	s8 =	sld [smem:$0x3FD0];
	(tm) =	ssettm $0x1  }
0x97: {  	s9 =	sld [smem:$0x3FFB];
	_ =	sdelay $0x3  }
0x98: {  	_ =	strace s9  }
0x99: {  	s9 =	sld [smem:$0x3FFC];
	_ =	sdelay $0x3  }
0x9a: {  	_ =	strace s9  }
0x9b: {  	s9 =	sld [smem:$0x3FFD];
	_ =	sdelay $0x3  }
0x9c: {  	_ =	strace s9  }
0x9d: {  	_ =	strace $0x8FFFFFFF  }
0x9e: {  	s20 =	sld [smem:$0x3FDB];
	_ =	sdelay $0x1  }
0x9f: {  	s10 =	simm.s32 $_scs_section_size  }
0xa0: {  	s11 =	simm.s32 $_size__tile_overlayer_lowered;
	s12 =	simm.s32 $_tile_overlayer_lowered  }
0xa1: {  	s23 =	simm.s32 $0x1BFF;
	s22 =	sshll.u32 s12, $0x1;
	s9 =	sadd.s32 s10, s20  }
0xa2: {  	s13 =	simm.s32 $0x0;
	s21 =	sshll.u32 s11, $0x1;
	s11 =	sadd.s32 s22, s9  }
0xa3: {  	[timem:s13], [sflag:s23] =	dma.local [hbm:s11], s21  }
0xa4: {  	_ =	swait.ge [sflag:s23], s21  }
0xa5: {  	s10 =	ssub.s32 $0x0, s21;
	[sflag:s23] =	ssyncset.done $0x0  }
0xa6: {  	[sflag:s23] =	ssyncadd.s32 s10;
	_ =	sdelay $0x1  }
0xa7: {  	s24 =	simm.s32 $0x1B8B  }
0xa8: {  	_ =	swait.ge [sflag:s24], $0x1  }
0xa9: {  	[sflag:s24] =	ssyncset.done $0x0  }
0xaa: {  	s25 =	simm.s32 $0x1B8E;
	[sflag:s24] =	ssyncadd.s32 $0xFFFFFFFF  }
0xab: {  	s26 =	simm.s32 $execute0_lowered;
	[smem:$0x3FD2] =	sst s25  }
0xac: {  	s10 =	sshll.u32 s26, $0x1;
	_ =	strace $0x80000046;
	[dreg:$0x1] =	wrdreg $0xFFFFFFFF  }
0xad: {  	s28 =	simm.s32 $_size_execute0_lowered;
	s9 =	sadd.s32 s9, s10;
	[dreg:$0x0] =	wrdreg $0x0  }
0xae: {  	s10 =	sshll.u32 s28, $0x1;
	[dreg:$0x2] =	wrdreg s9  }
0xaf: {  	[dreg:$0x3] =	wrdreg s10  }
0xb0: {  	[dreg:$0x4] =	wrdreg $0xC0  }
0xb1: {  	_ =	task [dreg:s13], $0x5FFFF  }
0xb2: {  	[dreg:$0x1] =	wrdreg $0xFFFFFFFF  }
0xb3: {  	[dreg:$0x0] =	wrdreg $0x60  }
0xb4: {  	[dreg:$0x2] =	wrdreg s2  }
0xb5: {  	[dreg:$0x3] =	wrdreg s19  }
0xb6: {  	[dreg:$0x4] =	wrdreg s4  }
0xb7: {  	[dreg:$0x5] =	wrdreg s5  }
0xb8: {  	[dreg:$0x6] =	wrdreg s6  }
0xb9: {  	[dreg:$0x7] =	wrdreg s7  }
0xba: {  	[dreg:$0x8] =	wrdreg s8  }
0xbb: {  	[dreg:$0x9] =	wrdreg $0x9  }
0xbc: {  	_ =	task.clear_ibuf [dreg:s13], $0xAFFFF;
	_ =	strace $0x90000046  }
0xbd: {  	s29 =	simm.s32 $0x9;
	_ =	strace $0x80000048  }
0xbe: {  	_ =	swait.ge [sflag:s29], $0x1  }
0xbf: {  	[sflag:s29] =	ssyncadd.s32 $0xFFFFFFFF  }
0xc0: {  	_ =	strace $0x90000048  }
0xc1: {  	_ =	sfence  }
0xc2: {  	s30 =	sld [smem:$0x0];
	_ =	sdelay $0x2  }
0xc3: {  	s31 =	sshll.u32 s1, $0xD;
	s1 =	sshrl.u32 s1, $0x2  }
0xc4: {  	s3 =	sand.u32 $0x4000, s31;
	s1 =	sadd.s32 s1, s30  }
0xc5: {  	s0 =	sor.u32 s3, s0;
	s1 =	sshll.u32 s1, $0x11  }
0xc6: {  	s0 =	sor.u32 s1, s0  }
0xc7: {  	s0 =	sadd.s32 $0x8F2B, s0  }
0xc8: {  	[sflag:s0] =	ssyncadd.remote.s32 $0x1  }
0xc9: {  	_ =	sfence.sel $0xFFFF  }
0xca: {  	[dreg:$0x0] =	wrdreg $0xFFFFFFFF;
	(pc) =	sbr.abs _section_cstart, $3  }
0xcb: {  	[dreg:$0x1] =	wrdreg $0xFFFFFFFF  }
0xcc: {  	_ =	task.clear_ibuf [dreg:s13], $0x2FFFF;
	_ =	strace $0x9FFFFFFF  }
0xcd: {  	(tm) =	ssettm $0x7FFFFFFF  }
tec
execute0_lowered:
.L_overlay_start_1:
0x0: {  	(tag) =	ssettag $0x1  }
0x1: {  	s0 =	rddreg [dreg:$0x0]  }
0x2: {  	s5 =	rddreg [dreg:$0x1]  }
0x3: {  	s1 =	rddreg [dreg:$0x2]  }
0x4: {  	s2 =	rddreg [dreg:$0x3]  }
0x5: {  	s3 =	rddreg [dreg:$0x4]  }
0x6: {  	s4 =	rddreg [dreg:$0x5]  }
0x7: {  	s7 =	rddreg [dreg:$0x6]  }
0x8: {  	s6 =	simm.s32 $0x0;
	s8 =	srdreg.scid;
	s10 =	stileid.u32  }
0x9: {  	s12 =	simm.s32 $0x200;
	s13 =	simm.s32 $0x80;
	s8 =	sand.u32 $0x1, s8  }
0xa: {  	s10 =	sshll.u32 s10, $0x7;
	s9 =	ssub.s32 $0x2, s8;
	s8 =	sshll.u32 s8, $0x6  }
0xb: {  	s30 =	simm.s32 $0x3;
	[smem:$0x7FF] =	sst s6;
	s10 =	sor.u32 s8, s10  }
0xc: {  	s31 =	simm.s32 $0x1;
	_ =	strace $0x80000047;
	s0 =	sadd.s32 s0, s10  }
0xd: {  	s11 =	sshrl.u32 s9, $0x1;
	s26 =	sadd.s32 s5, s10;
	[dreg:$0x8] =	wrdreg s0  }
0xe: {  	s11 =	ssub.s32 s9, s11;
	s28 =	sadd.s32 s7, s10;
	[dreg:$0x9] =	wrdreg s26  }
0xf: {  	s14 =	simm.s32 $0x2;
	[dreg:$0xa] =	wrdreg s28;
	s29 =	smax.u32 s11, $0x1  }
0x10: {  	v0 =	vlaneseq.u32;
	s16 =	simm.s32 $0x0;
	s11 =	simm.s32 $0x4;
	[dreg:$0xb] =	wrdreg s29  }
.LBB2_1:
0x11: {  	s0 =	rddreg [dreg:$0x8]  }
0x12: {  	[tilespmem:s6], [sflag:$0x4] =	stream.linear.gather [hbm4b:s0+s6], $0x200, $0x38;
	[tilespmem:$0x10A00] =	vst v63  }
0x13: {  	_ =	swait.ge [sflag:s11], $0x200  }
0x14: {  	[sflag:s11] =	ssyncset.done $0x0  }
0x15: {  	s8 =	rddreg [dreg:$0x9];
	[sflag:s11] =	ssyncadd.s32 $0xFFFFFE00  }
0x16: {  	[tilespmem:s12], [sflag:$0x4] =	stream.linear.gather [hbm4b:s8+s6], $0x200, $0x38;
	[tilespmem:$0x10A00] =	vst v63  }
0x17: {  	_ =	swait.ge [sflag:s11], $0x200  }
0x18: {  	[sflag:s11] =	ssyncset.done $0x0  }
0x19: {  	s9 =	simm.s32 $0x10400;
	[sflag:s11] =	ssyncadd.s32 $0xFFFFFE00  }
0x1a: {  	[tilespmem:s9], [sflag:$0x3] =	stream.indirect.gather [hbm4b:s3+s13], $0x1, s6, s13, $0xb8;
	[tilespmem:$0x10A00] =	vst v63  }
0x1b: {  	s10 =	simm.s32 $0x10600  }
0x1c: {  	[tilespmem:s10], [sflag:$0x3] =	stream.indirect.gather [hbm4b:s4+s13], $0x1, s12, s13, $0xb8;
	[tilespmem:$0x10A00] =	vst v63  }
0x1d: {  	s15 =	simm.s32 $0x10480  }
0x1e: {  	[tilespmem:s15], [sflag:$0x3] =	stream.indirect.gather [hbm4b:s3+s13], $0x1, s13, s13, $0xb8;
	[tilespmem:$0x10A00] =	vst v63  }
0x1f: {  	s17 =	simm.s32 $0x280;
	s5 =	simm.s32 $0x10680  }
0x20: {  	[tilespmem:s5], [sflag:$0x3] =	stream.indirect.gather [hbm4b:s4+s13], $0x1, s17, s13, $0xb8;
	[tilespmem:$0x10A00] =	vst v63  }
0x21: {  	s18 =	simm.s32 $0x100;
	s7 =	simm.s32 $0x10500  }
0x22: {  	[tilespmem:s7], [sflag:$0x3] =	stream.indirect.gather [hbm4b:s3+s13], $0x1, s18, s13, $0xb8;
	[tilespmem:$0x10A00] =	vst v63  }
0x23: {  	s19 =	simm.s32 $0x300;
	s20 =	simm.s32 $0x10700  }
0x24: {  	[tilespmem:s20], [sflag:$0x3] =	stream.indirect.gather [hbm4b:s4+s13], $0x1, s19, s13, $0xb8;
	[tilespmem:$0x10A00] =	vst v63  }
0x25: {  	s21 =	simm.s32 $0x180;
	s22 =	simm.s32 $0x10580  }
0x26: {  	[tilespmem:s22], [sflag:$0x3] =	stream.indirect.gather [hbm4b:s3+s13], $0x1, s21, s13, $0xb8;
	[tilespmem:$0x10A00] =	vst v63  }
0x27: {  	s23 =	simm.s32 $0x380;
	s24 =	simm.s32 $0x10780  }
0x28: {  	[tilespmem:s24], [sflag:$0x3] =	stream.indirect.gather [hbm4b:s4+s13], $0x1, s23, s13, $0xb8;
	[tilespmem:$0x10A00] =	vst v63  }
0x29: {  	s25 =	simm.s32 $0x400  }
0x2a: {  	[tilespmem:s25], [sflag:$0x1] =	stream.indirect.gather [hbm4b:s1+s13], $0x80, s6, s13, $0xb8;
	[tilespmem:$0x10A00] =	vst v63  }
0x2b: {  	s26 =	simm.s32 $0x8400  }
0x2c: {  	[tilespmem:s26], [sflag:$0x1] =	stream.indirect.gather [hbm4b:s2+s13], $0x80, s12, s13, $0xb8;
	[tilespmem:$0x10A00] =	vst v63  }
0x2d: {  	_ =	swait.ge [sflag:s30], $0x80  }
0x2e: {  	[sflag:s30] =	ssyncset.done $0x0  }
0x2f: {  	[sflag:s30] =	ssyncadd.s32 $0xFFFFFF80  }
0x30: {  	_ =	swait.ge [sflag:s30], $0x80  }
0x31: {  	[sflag:s30] =	ssyncset.done $0x0  }
0x32: {  	[sflag:s30] =	ssyncadd.s32 $0xFFFFFF80  }
0x33: {  	_ =	swait.ge [sflag:s30], $0x80  }
0x34: {  	[sflag:s30] =	ssyncset.done $0x0  }
0x35: {  	[sflag:s30] =	ssyncadd.s32 $0xFFFFFF80  }
0x36: {  	_ =	swait.ge [sflag:s30], $0x80  }
0x37: {  	[sflag:s30] =	ssyncset.done $0x0  }
0x38: {  	[sflag:s30] =	ssyncadd.s32 $0xFFFFFF80  }
0x39: {  	_ =	swait.ge [sflag:s30], $0x80  }
0x3a: {  	[sflag:s30] =	ssyncset.done $0x0  }
0x3b: {  	[sflag:s30] =	ssyncadd.s32 $0xFFFFFF80  }
0x3c: {  	_ =	swait.ge [sflag:s30], $0x80  }
0x3d: {  	[sflag:s30] =	ssyncset.done $0x0  }
0x3e: {  	[sflag:s30] =	ssyncadd.s32 $0xFFFFFF80  }
0x3f: {  	_ =	swait.ge [sflag:s30], $0x80  }
0x40: {  	[sflag:s30] =	ssyncset.done $0x0  }
0x41: {  	[sflag:s30] =	ssyncadd.s32 $0xFFFFFF80  }
0x42: {  	_ =	swait.ge [sflag:s30], $0x80  }
0x43: {  	[sflag:s30] =	ssyncset.done $0x0  }
0x44: {  	[sflag:s30] =	ssyncadd.s32 $0xFFFFFF80  }
0x45: {  	_ =	swait.ge [sflag:s31], $0x4000  }
0x46: {  	[sflag:s31] =	ssyncset.done $0x0  }
0x47: {  	[sflag:s31] =	ssyncadd.s32 $0xFFFFC000  }
0x48: {  	_ =	swait.ge [sflag:s31], $0x4000  }
0x49: {  	[sflag:s31] =	ssyncset.done $0x0  }
0x4a: {  	s28 =	simm.s32 $0x4400;
	s29 =	simm.s32 $0xC400;
	[sflag:s31] =	ssyncadd.s32 $0xFFFFC000  }
0x4b: {  	[tilespmem:s28], [sflag:$0x2] =	stream.indirect.gather [hbm4b:s1+s13], $0x80, s13, s13, $0xb8;
	[tilespmem:$0x10A00] =	vst v63  }
0x4c: {  	s18 =	simm.s32 $0x440;
	s20 =	simm.s32 $0x8440;
	s22 =	simm.s32 $0x0  }
0x4d: {  	[tilespmem:s29], [sflag:$0x2] =	stream.indirect.gather [hbm4b:s2+s13], $0x80, s17, s13, $0xb8;
	[tilespmem:$0x10A00] =	vst v63  }
.LBB2_2:
0x4e: {  	v1 =	vld [tilespmem:s18+$0xFFFFFFC0]  }
0x4f: {  	v2 =	vld [tilespmem:s20+$0xFFFFFFD0]  }
0x50: {  	v3 =	vld [tilespmem:s18+$0xFFFFFFD0]  }
0x51: {  	v4 =	vld [tilespmem:s20+$0xFFFFFFC0]  }
0x52: {  	v5 =	vld [tilespmem:s20+$0xFFFFFFE0]  }
0x53: {  	v6 =	vld [tilespmem:s18+$0xFFFFFFE0]  }
0x54: {  	v7 =	vld [tilespmem:s20+$0xFFFFFFF0]  }
0x55: {  	v8 =	vld [tilespmem:s18+$0xFFFFFFF0]  }
0x56: {  	v2 =	vmul.f32 v2, v3;
	v1 =	vmul.f32 v4, v1;
	v3 =	vld [tilespmem:s20+$0x0]  }
0x57: {  	v4 =	vld [tilespmem:s18+$0x0]  }
0x58: {  	v1 =	vadd.f32 v2, v1;
	v2 =	vmul.f32 v5, v6;
	v5 =	vld [tilespmem:s20+$0x10]  }
0x59: {  	v6 =	vld [tilespmem:s18+$0x10]  }
0x5a: {  	v1 =	vadd.f32 v2, v1;
	v2 =	vmul.f32 v7, v8;
	v7 =	vld [tilespmem:s20+$0x20]  }
0x5b: {  	v8 =	vld [tilespmem:s18+$0x20]  }
0x5c: {  	v1 =	vadd.f32 v2, v1;
	v2 =	vmul.f32 v3, v4;
	v3 =	vld [tilespmem:s20+$0x30]  }
0x5d: {  	v4 =	vld [tilespmem:s18+$0x30]  }
0x5e: {  	s0 =	sadd.s32 $0x80, s18;
	v1 =	vadd.f32 v2, v1;
	v2 =	vmul.f32 v5, v6  }
0x5f: {  	s5 =	sadd.s32 $0x80, s20;
	v5 =	vld [tilespmem:s0+$0xFFFFFFC0]  }
0x60: {  	v6 =	vld [tilespmem:s5+$0xFFFFFFD0];
	v1 =	vadd.f32 v2, v1;
	v2 =	vmul.f32 v7, v8  }
0x61: {  	v7 =	vld [tilespmem:s0+$0xFFFFFFD0]  }
0x62: {  	v8 =	vld [tilespmem:s5+$0xFFFFFFC0];
	v1 =	vadd.f32 v2, v1;
	v2 =	vmul.f32 v3, v4  }
0x63: {  	v3 =	vld [tilespmem:s5+$0xFFFFFFE0]  }
0x64: {  	v4 =	vld [tilespmem:s0+$0xFFFFFFE0];
	v1 =	vadd.f32 v2, v1  }
0x65: {  	v9 =	vld [tilespmem:s0+$0xFFFFFFF0]  }
0x66: {  	v2 =	vld [tilespmem:s5+$0xFFFFFFF0];
	(v2sf) =	vpush v1, $0xF  }
0x67: {  	v6 =	vmul.f32 v6, v7;
	v5 =	vmul.f32 v8, v5;
	v7 =	vld [tilespmem:s5+$0x0];
	(v2sf) =	vpush v1, $0xE  }
0x68: {  	v8 =	vld [tilespmem:s0+$0x0];
	(v2sf) =	vpush v1, $0xB  }
0x69: {  	v5 =	vadd.f32 v6, v5;
	v3 =	vmul.f32 v3, v4;
	v4 =	vld [tilespmem:s5+$0x10];
	(v2sf) =	vpush v1, $0x7  }
0x6a: {  	v6 =	vld [tilespmem:s0+$0x10];
	(v2sf) =	vpush v1, $0x6  }
0x6b: {  	v3 =	vadd.f32 v3, v5;
	v2 =	vmul.f32 v2, v9;
	v5 =	vld [tilespmem:s5+$0x20];
	(v2sf) =	vpush v1, $0x8  }
0x6c: {  	v9 =	vld [tilespmem:s0+$0x20];
	(v2sf) =	vpush v1, $0x5  }
0x6d: {  	v2 =	vadd.f32 v2, v3;
	v3 =	vmul.f32 v7, v8;
	v7 =	vld [tilespmem:s5+$0x30];
	(v2sf) =	vpush v1, $0x4  }
0x6e: {  	v8 =	vld [tilespmem:s0+$0x30];
	(v2sf) =	vpush v1, $0x3  }
0x6f: {  	s17 =	sadd.s32 $0x80, s0;
	v2 =	vadd.f32 v3, v2;
	v3 =	vmul.f32 v4, v6  }
0x70: {  	s19 =	sadd.s32 $0x80, s5;
	v4 =	vld [tilespmem:s17+$0xFFFFFFC0];
	(v2sf) =	vpush v1, $0xA  }
0x71: {  	v6 =	vld [tilespmem:s19+$0xFFFFFFD0];
	v2 =	vadd.f32 v3, v2;
	v3 =	vmul.f32 v5, v9;
	(v2sf) =	vpush v1, $0x9  }
0x72: {  	v5 =	vld [tilespmem:s17+$0xFFFFFFD0];
	(v2sf) =	vpush v1, $0xD  }
0x73: {  	v9 =	vld [tilespmem:s19+$0xFFFFFFC0];
	v2 =	vadd.f32 v3, v2;
	v3 =	vmul.f32 v7, v8;
	(v2sf) =	vpush v1, $0xC  }
0x74: {  	v7 =	vld [tilespmem:s19+$0xFFFFFFE0];
	(v2sf) =	vpush v1, $0x0  }
0x75: {  	v8 =	vld [tilespmem:s17+$0xFFFFFFE0];
	v2 =	vadd.f32 v3, v2;
	(v2sf) =	vpush v1, $0x1;
	s8 =	spop (v2sf)  }
0x76: {  	v10 =	vld [tilespmem:s19+$0xFFFFFFF0];
	(v2sf) =	vpush v1, $0x2;
	s7 =	spop (v2sf)  }
0x77: {  	v11 =	vld [tilespmem:s17+$0xFFFFFFF0];
	(v2sf) =	vpush v2, $0xF;
	s21 =	spop (v2sf)  }
0x78: {  	v3 =	vld [tilespmem:s19+$0x0];
	(v2sf) =	vpush v2, $0xE;
	s9 =	spop (v2sf)  }
0x79: {  	v4 =	vmul.f32 v9, v4;
	v1 =	vmul.f32 v6, v5;
	v5 =	vld [tilespmem:s17+$0x0];
	(v2sf) =	vpush v2, $0xB;
	s15 =	spop (v2sf)  }
0x7a: {  	s24 =	simm.s32 $0x0;
	v6 =	vmul.f32 v7, v8;
	v7 =	vld [tilespmem:s17+$0x10];
	(v2sf) =	vpush v2, $0x7;
	s28 =	spop (v2sf)  }
0x7b: {  	s26 =	simm.s32 $0x1;
	v8 =	vld [tilespmem:s17+$0x20];
	v1 =	vadd.f32 v1, v4;
	s25 =	sadd.f32 s8, s7;
	(v2sf) =	vpush v2, $0x6;
	s29 =	spop (v2sf)  }
0x7c: {  	s23 =	simm.s32 $0x3;
	v10 =	vmul.f32 v10, v11;
	v4 =	vld [tilespmem:s19+$0x10];
	s0 =	sadd.f32 s9, s15;
	(v2sf) =	vpush v2, $0x8;
	s10 =	spop (v2sf)  }
0x7d: {  	v9 =	vadd.f32 v6, v1;
	v6 =	vld [tilespmem:s19+$0x20];
	v1 =	vimm.f32 $0.0e+00;
	s15 =	simm.s32 $0x2;
	(v2sf) =	vpush v2, $0x5;
	s7 =	sadd.f32 s29, s10;
	s29 =	spop (v2sf)  }
.LBB2_3:
0x7e: {  	p0 =	sne.s32 s23, $0xF  }
0x7f: {  	v9 =	vadd.f32 v10, v9;
	v3 =	vmul.f32 v3, v5;
	v5 =	vld [tilespmem:s19+$0x30];
	(v2sf) =	vpush v2, $0x4;
	s8 =	spop (v2sf);
	s5 =	smov.u32 s23;
	s23 =	sadd.s32 $0x1, s23  }
0x80: {  	v10 =	vld [tilespmem:s17+$0x30];
	(v2sf) =	vpush v2, $0x3;
	s9 =	spop (v2sf)  }
0x81: {  	s17 =	sadd.s32 $0x80, s17;
	s8 =	sadd.f32 s21, s8;
	v3 =	vadd.f32 v3, v9;
	v4 =	vmul.f32 v4, v7;
	(v2sf) =	vpush v2, $0xA;
	s21 =	spop (v2sf)  }
0x82: {  	s19 =	sadd.s32 $0x80, s19;
	s0 =	sadd.f32 s0, s7;
	v7 =	vld [tilespmem:s17+$0xFFFFFFC0];
	(v2sf) =	vpush v2, $0x9;
	s7 =	spop (v2sf)  }
0x83: {  	s9 =	sadd.f32 s9, s28;
	v9 =	vld [tilespmem:s19+$0xFFFFFFD0];
	v3 =	vadd.f32 v4, v3;
	v4 =	vmul.f32 v6, v8;
	(v2sf) =	vpush v2, $0xD;
	s28 =	spop (v2sf)  }
0x84: {  	s7 =	sadd.f32 s21, s7;
	s21 =	spop (v2sf)  }
0x85: {  	v6 =	vld [tilespmem:s17+$0xFFFFFFD0];
	(v2sf) =	vpush v2, $0xC;
	s28 =	sadd.f32 s21, s28  }
0x86: {  	v8 =	vld [tilespmem:s19+$0xFFFFFFC0];
	v3 =	vadd.f32 v4, v3;
	v4 =	vmul.f32 v5, v10;
	(v2sf) =	vpush v2, $0x0;
	s21 =	spop (v2sf);
	s7 =	sadd.f32 s25, s7  }
0x87: {  	v10 =	vld [tilespmem:s19+$0xFFFFFFE0];
	(v2sf) =	vpush v2, $0x1;
	s29 =	sadd.f32 s29, s21  }
0x88: {  	s8 =	sadd.f32 s8, s9;
	v11 =	vld [tilespmem:s17+$0xFFFFFFE0];
	(v2sf) =	vpush v2, $0x2;
	v2 =	vadd.f32 v4, v3;
	s25 =	spop (v2sf)  }
0x89: {  	v12 =	vld [tilespmem:s19+$0xFFFFFFF0];
	s10 =	spop (v2sf);
	s9 =	sadd.f32 s29, s28  }
0x8a: {  	s7 =	sadd.f32 s7, s8;
	v4 =	vmul.f32 v9, v6;
	v6 =	vld [tilespmem:s17+$0xFFFFFFF0];
	(v2sf) =	vpush v2, $0xF;
	s21 =	spop (v2sf)  }
0x8b: {  	v7 =	vmul.f32 v8, v7;
	v3 =	vld [tilespmem:s19+$0x0];
	(v2sf) =	vpush v2, $0xE;
	s28 =	spop (v2sf);
	s9 =	sadd.f32 s0, s9  }
.Ltmp0:
0x8c: {  	v8 =	vmov s24;
	v5 =	vld [tilespmem:s17+$0x0];
	(v2sf) =	vpush v2, $0xB;
	s8 =	spop (v2sf);
	(pc) =	sbr.rel @p0 .LBB2_3-.Ltmp0, $4  }
0x8d: {  	s24 =	smov.u32 s26;
	v9 =	vadd.f32 v4, v7;
	v10 =	vmul.f32 v10, v11;
	v4 =	vld [tilespmem:s19+$0x10];
	(v2sf) =	vpush v2, $0x7;
	s0 =	sadd.f32 s28, s8;
	s28 =	spop (v2sf)  }
0x8e: {  	s26 =	smov.u32 s15;
	vm0 =	veq.s32 v8, v0;
	s9 =	sadd.f32 s7, s9;
	v7 =	vld [tilespmem:s17+$0x10];
	(v2sf) =	vpush v2, $0x6;
	s8 =	spop (v2sf)  }
0x8f: {  	s25 =	sadd.f32 s25, s10;
	s15 =	smov.u32 s5;
	v9 =	vadd.f32 v10, v9;
	v10 =	vmul.f32 v12, v6;
	v6 =	vld [tilespmem:s19+$0x20];
	(v2sf) =	vpush v2, $0x8;
	s7 =	spop (v2sf)  }
0x90: {  	v1 =	vsel vm0, s9, v1;
	v8 =	vld [tilespmem:s17+$0x20];
	(v2sf) =	vpush v2, $0x5;
	s7 =	sadd.f32 s8, s7;
	s29 =	spop (v2sf)  }
0x91: {  	v9 =	vadd.f32 v10, v9;
	v3 =	vmul.f32 v3, v5;
	v59 =	vld [tilespmem:s19+$0x30]  }
0x92: {  	(v2sf) =	vpush v2, $0x4;
	v60 =	vld [tilespmem:s17+$0x30]  }
0x93: {  	s5 =	spop (v2sf);
	(v2sf) =	vpush v2, $0x3;
	v3 =	vadd.f32 v3, v9;
	v4 =	vmul.f32 v4, v7  }
0x94: {  	s8 =	spop (v2sf);
	(v2sf) =	vpush v2, $0xA  }
0x95: {  	s9 =	spop (v2sf);
	(v2sf) =	vpush v2, $0x9;
	v3 =	vadd.f32 v4, v3;
	v61 =	vmul.f32 v6, v8  }
0x96: {  	s10 =	spop (v2sf);
	(v2sf) =	vpush v2, $0xD  }
0x97: {  	s5 =	sadd.f32 s21, s5;
	s19 =	spop (v2sf);
	(v2sf) =	vpush v2, $0xC;
	v62 =	vmul.f32 v59, v60;
	v3 =	vadd.f32 v61, v3  }
0x98: {  	s0 =	sadd.f32 s0, s7;
	s23 =	spop (v2sf);
	(v2sf) =	vpush v2, $0x0  }
0x99: {  	s8 =	sadd.f32 s8, s28;
	s7 =	spop (v2sf);
	(v2sf) =	vpush v2, $0x1;
	v3 =	vadd.f32 v62, v3  }
0x9a: {  	s9 =	sadd.f32 s9, s10;
	(v2sf) =	vpush v2, $0x2;
	s21 =	spop (v2sf)  }
0x9b: {  	s5 =	sadd.f32 s5, s8;
	s10 =	spop (v2sf);
	(v2sf) =	vpush v3, $0xF  }
0x9c: {  	s17 =	sadd.f32 s23, s19;
	s19 =	spop (v2sf);
	(v2sf) =	vpush v3, $0xE  }
0x9d: {  	s9 =	sadd.f32 s25, s9;
	s23 =	spop (v2sf);
	(v2sf) =	vpush v3, $0xB  }
0x9e: {  	s7 =	sadd.f32 s29, s7;
	s29 =	spop (v2sf);
	(v2sf) =	vpush v3, $0x7  }
0x9f: {  	s5 =	sadd.f32 s9, s5;
	s8 =	spop (v2sf);
	(v2sf) =	vpush v3, $0x6  }
0xa0: {  	s7 =	sadd.f32 s7, s17;
	s17 =	spop (v2sf);
	(v2sf) =	vpush v3, $0x8  }
0xa1: {  	s10 =	sadd.f32 s21, s10;
	s9 =	spop (v2sf);
	(v2sf) =	vpush v3, $0x5  }
0xa2: {  	s0 =	sadd.f32 s0, s7;
	s7 =	spop (v2sf);
	(v2sf) =	vpush v3, $0x4  }
0xa3: {  	s23 =	sadd.f32 s23, s29;
	s28 =	spop (v2sf);
	(v2sf) =	vpush v3, $0x3  }
0xa4: {  	s0 =	sadd.f32 s5, s0;
	s29 =	spop (v2sf);
	(v2sf) =	vpush v3, $0xA  }
0xa5: {  	s9 =	sadd.f32 s17, s9;
	s21 =	spop (v2sf);
	(v2sf) =	vpush v3, $0x9  }
0xa6: {  	s19 =	sadd.f32 s19, s28;
	s17 =	spop (v2sf);
	(v2sf) =	vpush v3, $0xD  }
0xa7: {  	s9 =	sadd.f32 s23, s9;
	s25 =	spop (v2sf);
	(v2sf) =	vpush v3, $0xC  }
0xa8: {  	s5 =	sadd.f32 s29, s8;
	s28 =	spop (v2sf);
	(v2sf) =	vpush v3, $0x0  }
0xa9: {  	s17 =	sadd.f32 s21, s17;
	s29 =	spop (v2sf);
	(v2sf) =	vpush v3, $0x1  }
0xaa: {  	s5 =	sadd.f32 s19, s5;
	s21 =	spop (v2sf);
	(v2sf) =	vpush v3, $0x2  }
0xab: {  	s23 =	sadd.f32 s28, s25;
	s25 =	spop (v2sf)  }
0xac: {  	s10 =	sadd.f32 s10, s17;
	s17 =	spop (v2sf)  }
0xad: {  	s7 =	sadd.f32 s7, s29;
	s8 =	spop (v2sf)  }
0xae: {  	s5 =	sadd.f32 s10, s5;
	s28 =	spop (v2sf)  }
0xaf: {  	s7 =	sadd.f32 s7, s23;
	s23 =	spop (v2sf)  }
0xb0: {  	s21 =	sadd.f32 s21, s25;
	s10 =	spop (v2sf)  }
0xb1: {  	s7 =	sadd.f32 s9, s7;
	s29 =	spop (v2sf)  }
0xb2: {  	s8 =	sadd.f32 s8, s28;
	s19 =	spop (v2sf)  }
0xb3: {  	s9 =	sadd.f32 s10, s29;
	s28 =	spop (v2sf)  }
0xb4: {  	s29 =	spop (v2sf);
	s17 =	sadd.f32 s17, s28  }
0xb5: {  	s8 =	sadd.f32 s8, s9;
	s25 =	spop (v2sf)  }
0xb6: {  	s10 =	sadd.f32 s29, s23;
	s28 =	spop (v2sf)  }
0xb7: {  	s29 =	spop (v2sf);
	s9 =	sadd.f32 s25, s28  }
0xb8: {  	s10 =	sadd.f32 s17, s10;
	s28 =	spop (v2sf)  }
0xb9: {  	s23 =	sadd.f32 s28, s29;
	s29 =	spop (v2sf)  }
0xba: {  	s19 =	sadd.f32 s19, s29  }
0xbb: {  	s9 =	sadd.f32 s21, s9  }
0xbc: {  	s25 =	sadd.f32 s19, s23  }
0xbd: {  	s28 =	sshll.u32 s22, $0x4;
	s9 =	sadd.f32 s9, s10  }
0xbe: {  	v2 =	vmov s24;
	v3 =	vld [tilespmem:s28+$0x10400];
	s8 =	sadd.f32 s8, s25  }
0xbf: {  	vm0 =	veq.s32 v2, v0;
	v2 =	vmov s26;
	s5 =	sadd.f32 s5, s7  }
0xc0: {  	vm14 =	veq.s32 v2, v0;
	v2 =	vmov s15;
	v1 =	vsel vm0, s0, v1;
	v63 =	vld [tilespmem:s28+$0x10600];
	s29 =	sadd.f32 s9, s8  }
0xc1: {  	vm15 =	veq.s32 v2, v0;
	v1 =	vsel vm14, s5, v1;
	s22 =	sadd.s32 $0x1, s22  }
0xc2: {  	p0 =	sne.s32 s22, $0x8;
	v1 =	vsel vm15, s29, v1  }
.Ltmp1:
0xc3: {  	v1 =	vadd.f32 v3, v1;
	(pc) =	sbr.rel @p0 .LBB2_2-.Ltmp1, $3  }
0xc4: {  	_ = 	snop  }
0xc5: {  	v1 =	vadd.f32 v63, v1;
	_ =	sdelay $0x1  }
0xc6: {  	s18 =	sadd.s32 $0x800, s18;
	s20 =	sadd.s32 $0x800, s20;
	[tilespmem:s28+$0x10800] =	vst v1  }
0xc7: {  	_ =	swait.ge [sflag:s14], $0x4000  }
0xc8: {  	[sflag:s14] =	ssyncset.done $0x0  }
0xc9: {  	[sflag:s14] =	ssyncadd.s32 $0xFFFFC000  }
0xca: {  	_ =	swait.ge [sflag:s14], $0x4000  }
0xcb: {  	s0 =	simm.s32 $0x100;
	s5 =	simm.s32 $0x400;
	[sflag:s14] =	ssyncset.done $0x0  }
0xcc: {  	s28 =	simm.s32 $0x300;
	s29 =	simm.s32 $0x8400;
	[sflag:s14] =	ssyncadd.s32 $0xFFFFC000  }
0xcd: {  	[tilespmem:s5], [sflag:$0x1] =	stream.indirect.gather [hbm4b:s1+s13], $0x80, s0, s13, $0xb8;
	[tilespmem:$0x10A00] =	vst v63  }
0xce: {  	s18 =	simm.s32 $0x0;
	s20 =	simm.s32 $0x4440;
	s22 =	simm.s32 $0xC440  }
0xcf: {  	[tilespmem:s29], [sflag:$0x1] =	stream.indirect.gather [hbm4b:s2+s13], $0x80, s28, s13, $0xb8;
	[tilespmem:$0x10A00] =	vst v63  }
.LBB2_6:
0xd0: {  	v1 =	vld [tilespmem:s20+$0xFFFFFFC0]  }
0xd1: {  	v2 =	vld [tilespmem:s22+$0xFFFFFFD0]  }
0xd2: {  	v3 =	vld [tilespmem:s20+$0xFFFFFFD0]  }
0xd3: {  	v4 =	vld [tilespmem:s22+$0xFFFFFFC0]  }
0xd4: {  	v5 =	vld [tilespmem:s22+$0xFFFFFFE0]  }
0xd5: {  	v6 =	vld [tilespmem:s20+$0xFFFFFFE0]  }
0xd6: {  	v7 =	vld [tilespmem:s22+$0xFFFFFFF0]  }
0xd7: {  	v8 =	vld [tilespmem:s20+$0xFFFFFFF0]  }
0xd8: {  	v2 =	vmul.f32 v2, v3;
	v1 =	vmul.f32 v4, v1;
	v3 =	vld [tilespmem:s22+$0x0]  }
0xd9: {  	v4 =	vld [tilespmem:s20+$0x0]  }
0xda: {  	v1 =	vadd.f32 v2, v1;
	v2 =	vmul.f32 v5, v6;
	v5 =	vld [tilespmem:s22+$0x10]  }
0xdb: {  	v6 =	vld [tilespmem:s20+$0x10]  }
0xdc: {  	v1 =	vadd.f32 v2, v1;
	v2 =	vmul.f32 v7, v8;
	v7 =	vld [tilespmem:s22+$0x20]  }
0xdd: {  	v8 =	vld [tilespmem:s20+$0x20]  }
0xde: {  	v1 =	vadd.f32 v2, v1;
	v2 =	vmul.f32 v3, v4;
	v3 =	vld [tilespmem:s22+$0x30]  }
0xdf: {  	v4 =	vld [tilespmem:s20+$0x30]  }
0xe0: {  	s0 =	sadd.s32 $0x80, s20;
	v1 =	vadd.f32 v2, v1;
	v2 =	vmul.f32 v5, v6  }
0xe1: {  	s5 =	sadd.s32 $0x80, s22;
	v5 =	vld [tilespmem:s0+$0xFFFFFFC0]  }
0xe2: {  	v6 =	vld [tilespmem:s5+$0xFFFFFFD0];
	v1 =	vadd.f32 v2, v1;
	v2 =	vmul.f32 v7, v8  }
0xe3: {  	v7 =	vld [tilespmem:s0+$0xFFFFFFD0]  }
0xe4: {  	v8 =	vld [tilespmem:s5+$0xFFFFFFC0];
	v1 =	vadd.f32 v2, v1;
	v2 =	vmul.f32 v3, v4  }
0xe5: {  	v3 =	vld [tilespmem:s5+$0xFFFFFFE0]  }
0xe6: {  	v4 =	vld [tilespmem:s0+$0xFFFFFFE0];
	v1 =	vadd.f32 v2, v1  }
0xe7: {  	v9 =	vld [tilespmem:s0+$0xFFFFFFF0]  }
0xe8: {  	v2 =	vld [tilespmem:s5+$0xFFFFFFF0];
	(v2sf) =	vpush v1, $0xF  }
0xe9: {  	v6 =	vmul.f32 v6, v7;
	v5 =	vmul.f32 v8, v5;
	v7 =	vld [tilespmem:s5+$0x0];
	(v2sf) =	vpush v1, $0xE  }
0xea: {  	v8 =	vld [tilespmem:s0+$0x0];
	(v2sf) =	vpush v1, $0xB  }
0xeb: {  	v5 =	vadd.f32 v6, v5;
	v3 =	vmul.f32 v3, v4;
	v4 =	vld [tilespmem:s5+$0x10];
	(v2sf) =	vpush v1, $0x7  }
0xec: {  	v6 =	vld [tilespmem:s0+$0x10];
	(v2sf) =	vpush v1, $0x6  }
0xed: {  	v3 =	vadd.f32 v3, v5;
	v2 =	vmul.f32 v2, v9;
	v5 =	vld [tilespmem:s5+$0x20];
	(v2sf) =	vpush v1, $0x8  }
0xee: {  	v9 =	vld [tilespmem:s0+$0x20];
	(v2sf) =	vpush v1, $0x5  }
0xef: {  	v2 =	vadd.f32 v2, v3;
	v3 =	vmul.f32 v7, v8;
	v7 =	vld [tilespmem:s5+$0x30];
	(v2sf) =	vpush v1, $0x4  }
0xf0: {  	v8 =	vld [tilespmem:s0+$0x30];
	(v2sf) =	vpush v1, $0x3  }
0xf1: {  	s17 =	sadd.s32 $0x80, s0;
	v2 =	vadd.f32 v3, v2;
	v3 =	vmul.f32 v4, v6  }
0xf2: {  	s19 =	sadd.s32 $0x80, s5;
	v4 =	vld [tilespmem:s17+$0xFFFFFFC0];
	(v2sf) =	vpush v1, $0xA  }
0xf3: {  	v6 =	vld [tilespmem:s19+$0xFFFFFFD0];
	v2 =	vadd.f32 v3, v2;
	v3 =	vmul.f32 v5, v9;
	(v2sf) =	vpush v1, $0x9  }
0xf4: {  	v5 =	vld [tilespmem:s17+$0xFFFFFFD0];
	(v2sf) =	vpush v1, $0xD  }
0xf5: {  	v9 =	vld [tilespmem:s19+$0xFFFFFFC0];
	v2 =	vadd.f32 v3, v2;
	v3 =	vmul.f32 v7, v8;
	(v2sf) =	vpush v1, $0xC  }
0xf6: {  	v7 =	vld [tilespmem:s19+$0xFFFFFFE0];
	(v2sf) =	vpush v1, $0x0  }
0xf7: {  	v8 =	vld [tilespmem:s17+$0xFFFFFFE0];
	v2 =	vadd.f32 v3, v2;
	(v2sf) =	vpush v1, $0x1;
	s25 =	spop (v2sf)  }
0xf8: {  	v10 =	vld [tilespmem:s19+$0xFFFFFFF0];
	(v2sf) =	vpush v1, $0x2;
	s7 =	spop (v2sf)  }
0xf9: {  	v11 =	vld [tilespmem:s17+$0xFFFFFFF0];
	(v2sf) =	vpush v2, $0xF;
	s23 =	spop (v2sf)  }
0xfa: {  	v3 =	vld [tilespmem:s19+$0x0];
	(v2sf) =	vpush v2, $0xE;
	s9 =	spop (v2sf)  }
0xfb: {  	v4 =	vmul.f32 v9, v4;
	v1 =	vmul.f32 v6, v5;
	v5 =	vld [tilespmem:s17+$0x0];
	(v2sf) =	vpush v2, $0xB;
	s8 =	spop (v2sf)  }
0xfc: {  	s24 =	simm.s32 $0x1;
	v6 =	vmul.f32 v7, v8;
	v7 =	vld [tilespmem:s17+$0x10];
	(v2sf) =	vpush v2, $0x7;
	s28 =	spop (v2sf)  }
0xfd: {  	s26 =	simm.s32 $0x2;
	v8 =	vld [tilespmem:s17+$0x20];
	v1 =	vadd.f32 v1, v4;
	s25 =	sadd.f32 s25, s7;
	(v2sf) =	vpush v2, $0x6;
	s10 =	spop (v2sf)  }
0xfe: {  	s21 =	simm.s32 $0x3;
	v10 =	vmul.f32 v10, v11;
	v4 =	vld [tilespmem:s19+$0x10];
	s0 =	sadd.f32 s9, s8;
	(v2sf) =	vpush v2, $0x8;
	s15 =	spop (v2sf)  }
0xff: {  	v9 =	vadd.f32 v6, v1;
	v6 =	vld [tilespmem:s19+$0x20];
	v1 =	vimm.f32 $0.0e+00;
	(v2sf) =	vpush v2, $0x5;
	s7 =	sadd.f32 s10, s15;
	s29 =	spop (v2sf);
	s15 =	simm.s32 $0x0  }
.LBB2_7:
0x100: {  	p0 =	sne.s32 s21, $0xF  }
0x101: {  	v9 =	vadd.f32 v10, v9;
	v3 =	vmul.f32 v3, v5;
	v5 =	vld [tilespmem:s19+$0x30];
	(v2sf) =	vpush v2, $0x4;
	s8 =	spop (v2sf);
	s5 =	smov.u32 s21;
	s21 =	sadd.s32 $0x1, s21  }
0x102: {  	v10 =	vld [tilespmem:s17+$0x30];
	(v2sf) =	vpush v2, $0x3;
	s9 =	spop (v2sf)  }
0x103: {  	s17 =	sadd.s32 $0x80, s17;
	s8 =	sadd.f32 s23, s8;
	v3 =	vadd.f32 v3, v9;
	v4 =	vmul.f32 v4, v7;
	(v2sf) =	vpush v2, $0xA;
	s10 =	spop (v2sf)  }
0x104: {  	s19 =	sadd.s32 $0x80, s19;
	s0 =	sadd.f32 s0, s7;
	v7 =	vld [tilespmem:s17+$0xFFFFFFC0];
	(v2sf) =	vpush v2, $0x9;
	s7 =	spop (v2sf)  }
0x105: {  	s9 =	sadd.f32 s9, s28;
	v9 =	vld [tilespmem:s19+$0xFFFFFFD0];
	v3 =	vadd.f32 v4, v3;
	v4 =	vmul.f32 v6, v8;
	(v2sf) =	vpush v2, $0xD;
	s23 =	spop (v2sf)  }
0x106: {  	s7 =	sadd.f32 s10, s7;
	s10 =	spop (v2sf)  }
0x107: {  	v6 =	vld [tilespmem:s17+$0xFFFFFFD0];
	(v2sf) =	vpush v2, $0xC;
	s10 =	sadd.f32 s10, s23  }
0x108: {  	v8 =	vld [tilespmem:s19+$0xFFFFFFC0];
	v3 =	vadd.f32 v4, v3;
	v4 =	vmul.f32 v5, v10;
	(v2sf) =	vpush v2, $0x0;
	s23 =	spop (v2sf);
	s7 =	sadd.f32 s25, s7  }
0x109: {  	v10 =	vld [tilespmem:s19+$0xFFFFFFE0];
	(v2sf) =	vpush v2, $0x1;
	s28 =	sadd.f32 s29, s23  }
0x10a: {  	s8 =	sadd.f32 s8, s9;
	v11 =	vld [tilespmem:s17+$0xFFFFFFE0];
	(v2sf) =	vpush v2, $0x2;
	v2 =	vadd.f32 v4, v3;
	s25 =	spop (v2sf)  }
0x10b: {  	v12 =	vld [tilespmem:s19+$0xFFFFFFF0];
	s29 =	spop (v2sf);
	s9 =	sadd.f32 s28, s10  }
0x10c: {  	s7 =	sadd.f32 s7, s8;
	v4 =	vmul.f32 v9, v6;
	v6 =	vld [tilespmem:s17+$0xFFFFFFF0];
	(v2sf) =	vpush v2, $0xF;
	s23 =	spop (v2sf)  }
0x10d: {  	v7 =	vmul.f32 v8, v7;
	v3 =	vld [tilespmem:s19+$0x0];
	(v2sf) =	vpush v2, $0xE;
	s10 =	spop (v2sf);
	s9 =	sadd.f32 s0, s9  }
.Ltmp2:
0x10e: {  	v8 =	vmov s15;
	v5 =	vld [tilespmem:s17+$0x0];
	(v2sf) =	vpush v2, $0xB;
	s8 =	spop (v2sf);
	(pc) =	sbr.rel @p0 .LBB2_7-.Ltmp2, $4  }
0x10f: {  	s15 =	smov.u32 s24;
	v9 =	vadd.f32 v4, v7;
	v10 =	vmul.f32 v10, v11;
	v4 =	vld [tilespmem:s19+$0x10];
	(v2sf) =	vpush v2, $0x7;
	s0 =	sadd.f32 s10, s8;
	s28 =	spop (v2sf)  }
0x110: {  	s24 =	smov.u32 s26;
	vm0 =	veq.s32 v8, v0;
	s9 =	sadd.f32 s7, s9;
	v7 =	vld [tilespmem:s17+$0x10];
	(v2sf) =	vpush v2, $0x6;
	s8 =	spop (v2sf)  }
0x111: {  	s25 =	sadd.f32 s25, s29;
	s26 =	smov.u32 s5;
	v9 =	vadd.f32 v10, v9;
	v10 =	vmul.f32 v12, v6;
	v6 =	vld [tilespmem:s19+$0x20];
	(v2sf) =	vpush v2, $0x8;
	s7 =	spop (v2sf)  }
0x112: {  	v1 =	vsel vm0, s9, v1;
	v8 =	vld [tilespmem:s17+$0x20];
	(v2sf) =	vpush v2, $0x5;
	s7 =	sadd.f32 s8, s7;
	s29 =	spop (v2sf)  }
0x113: {  	v9 =	vadd.f32 v10, v9;
	v3 =	vmul.f32 v3, v5;
	v59 =	vld [tilespmem:s19+$0x30]  }
0x114: {  	(v2sf) =	vpush v2, $0x4;
	v60 =	vld [tilespmem:s17+$0x30]  }
0x115: {  	s5 =	spop (v2sf);
	(v2sf) =	vpush v2, $0x3;
	v3 =	vadd.f32 v3, v9;
	v4 =	vmul.f32 v4, v7  }
0x116: {  	s8 =	spop (v2sf);
	(v2sf) =	vpush v2, $0xA  }
0x117: {  	s9 =	spop (v2sf);
	(v2sf) =	vpush v2, $0x9;
	v3 =	vadd.f32 v4, v3;
	v61 =	vmul.f32 v6, v8  }
0x118: {  	s10 =	spop (v2sf);
	(v2sf) =	vpush v2, $0xD  }
0x119: {  	s5 =	sadd.f32 s23, s5;
	s17 =	spop (v2sf);
	(v2sf) =	vpush v2, $0xC;
	v62 =	vmul.f32 v59, v60;
	v3 =	vadd.f32 v61, v3  }
0x11a: {  	s0 =	sadd.f32 s0, s7;
	s19 =	spop (v2sf);
	(v2sf) =	vpush v2, $0x0  }
0x11b: {  	s8 =	sadd.f32 s8, s28;
	s23 =	spop (v2sf);
	(v2sf) =	vpush v2, $0x1;
	v3 =	vadd.f32 v62, v3  }
0x11c: {  	s9 =	sadd.f32 s9, s10;
	(v2sf) =	vpush v2, $0x2;
	s21 =	spop (v2sf)  }
0x11d: {  	s5 =	sadd.f32 s5, s8;
	s10 =	spop (v2sf);
	(v2sf) =	vpush v3, $0xF  }
0x11e: {  	s17 =	sadd.f32 s19, s17;
	s19 =	spop (v2sf);
	(v2sf) =	vpush v3, $0xE  }
0x11f: {  	s9 =	sadd.f32 s25, s9;
	s28 =	spop (v2sf);
	(v2sf) =	vpush v3, $0xB  }
0x120: {  	s7 =	sadd.f32 s29, s23;
	s29 =	spop (v2sf);
	(v2sf) =	vpush v3, $0x7  }
0x121: {  	s5 =	sadd.f32 s9, s5;
	s8 =	spop (v2sf);
	(v2sf) =	vpush v3, $0x6  }
0x122: {  	s7 =	sadd.f32 s7, s17;
	s17 =	spop (v2sf);
	(v2sf) =	vpush v3, $0x8  }
0x123: {  	s10 =	sadd.f32 s21, s10;
	s9 =	spop (v2sf);
	(v2sf) =	vpush v3, $0x5  }
0x124: {  	s0 =	sadd.f32 s0, s7;
	s7 =	spop (v2sf);
	(v2sf) =	vpush v3, $0x4  }
0x125: {  	s23 =	sadd.f32 s28, s29;
	s28 =	spop (v2sf);
	(v2sf) =	vpush v3, $0x3  }
0x126: {  	s0 =	sadd.f32 s5, s0;
	s29 =	spop (v2sf);
	(v2sf) =	vpush v3, $0xA  }
0x127: {  	s9 =	sadd.f32 s17, s9;
	s21 =	spop (v2sf);
	(v2sf) =	vpush v3, $0x9  }
0x128: {  	s19 =	sadd.f32 s19, s28;
	s17 =	spop (v2sf);
	(v2sf) =	vpush v3, $0xD  }
0x129: {  	s9 =	sadd.f32 s23, s9;
	s25 =	spop (v2sf);
	(v2sf) =	vpush v3, $0xC  }
0x12a: {  	s5 =	sadd.f32 s29, s8;
	s28 =	spop (v2sf);
	(v2sf) =	vpush v3, $0x0  }
0x12b: {  	s17 =	sadd.f32 s21, s17;
	s29 =	spop (v2sf);
	(v2sf) =	vpush v3, $0x1  }
0x12c: {  	s5 =	sadd.f32 s19, s5;
	s21 =	spop (v2sf);
	(v2sf) =	vpush v3, $0x2  }
0x12d: {  	s23 =	sadd.f32 s28, s25;
	s25 =	spop (v2sf)  }
0x12e: {  	s10 =	sadd.f32 s10, s17;
	s17 =	spop (v2sf)  }
0x12f: {  	s7 =	sadd.f32 s7, s29;
	s8 =	spop (v2sf)  }
0x130: {  	s5 =	sadd.f32 s10, s5;
	s28 =	spop (v2sf)  }
0x131: {  	s7 =	sadd.f32 s7, s23;
	s23 =	spop (v2sf)  }
0x132: {  	s21 =	sadd.f32 s21, s25;
	s10 =	spop (v2sf)  }
0x133: {  	s7 =	sadd.f32 s9, s7;
	s29 =	spop (v2sf)  }
0x134: {  	s8 =	sadd.f32 s8, s28;
	s19 =	spop (v2sf)  }
0x135: {  	s9 =	sadd.f32 s10, s29;
	s28 =	spop (v2sf)  }
0x136: {  	s29 =	spop (v2sf);
	s17 =	sadd.f32 s17, s28  }
0x137: {  	s8 =	sadd.f32 s8, s9;
	s25 =	spop (v2sf)  }
0x138: {  	s10 =	sadd.f32 s29, s23;
	s28 =	spop (v2sf)  }
0x139: {  	s29 =	spop (v2sf);
	s9 =	sadd.f32 s25, s28  }
0x13a: {  	s10 =	sadd.f32 s17, s10;
	s28 =	spop (v2sf)  }
0x13b: {  	s23 =	sadd.f32 s28, s29;
	s29 =	spop (v2sf)  }
0x13c: {  	s19 =	sadd.f32 s19, s29  }
0x13d: {  	s9 =	sadd.f32 s21, s9  }
0x13e: {  	s25 =	sadd.f32 s19, s23  }
0x13f: {  	s28 =	sshll.u32 s18, $0x4;
	s9 =	sadd.f32 s9, s10  }
0x140: {  	v2 =	vmov s15;
	v3 =	vld [tilespmem:s28+$0x10480];
	s8 =	sadd.f32 s8, s25  }
0x141: {  	vm0 =	veq.s32 v2, v0;
	v2 =	vmov s24;
	s5 =	sadd.f32 s5, s7  }
0x142: {  	vm14 =	veq.s32 v2, v0;
	v2 =	vmov s26;
	v1 =	vsel vm0, s0, v1;
	v63 =	vld [tilespmem:s28+$0x10680];
	s29 =	sadd.f32 s9, s8  }
0x143: {  	vm15 =	veq.s32 v2, v0;
	v1 =	vsel vm14, s5, v1;
	s18 =	sadd.s32 $0x1, s18  }
0x144: {  	p0 =	sne.s32 s18, $0x8;
	v1 =	vsel vm15, s29, v1  }
.Ltmp3:
0x145: {  	v1 =	vadd.f32 v3, v1;
	(pc) =	sbr.rel @p0 .LBB2_6-.Ltmp3, $3  }
0x146: {  	_ = 	snop  }
0x147: {  	v1 =	vadd.f32 v63, v1;
	_ =	sdelay $0x1  }
0x148: {  	s20 =	sadd.s32 $0x800, s20;
	s22 =	sadd.s32 $0x800, s22;
	[tilespmem:s28+$0x10880] =	vst v1  }
0x149: {  	_ =	swait.ge [sflag:s31], $0x4000  }
0x14a: {  	[sflag:s31] =	ssyncset.done $0x0  }
0x14b: {  	[sflag:s31] =	ssyncadd.s32 $0xFFFFC000  }
0x14c: {  	_ =	swait.ge [sflag:s31], $0x4000  }
0x14d: {  	s0 =	simm.s32 $0x180;
	s5 =	simm.s32 $0x4400;
	[sflag:s31] =	ssyncset.done $0x0  }
0x14e: {  	s28 =	simm.s32 $0x380;
	s29 =	simm.s32 $0xC400;
	[sflag:s31] =	ssyncadd.s32 $0xFFFFC000  }
0x14f: {  	[tilespmem:s5], [sflag:$0x2] =	stream.indirect.gather [hbm4b:s1+s13], $0x80, s0, s13, $0xb8;
	[tilespmem:$0x10A00] =	vst v63  }
0x150: {  	s18 =	simm.s32 $0x0;
	s20 =	simm.s32 $0x440;
	s22 =	simm.s32 $0x8440  }
0x151: {  	[tilespmem:s29], [sflag:$0x2] =	stream.indirect.gather [hbm4b:s2+s13], $0x80, s28, s13, $0xb8;
	[tilespmem:$0x10A00] =	vst v63  }
.LBB2_10:
0x152: {  	v1 =	vld [tilespmem:s20+$0xFFFFFFC0]  }
0x153: {  	v2 =	vld [tilespmem:s22+$0xFFFFFFD0]  }
0x154: {  	v3 =	vld [tilespmem:s20+$0xFFFFFFD0]  }
0x155: {  	v4 =	vld [tilespmem:s22+$0xFFFFFFC0]  }
0x156: {  	v5 =	vld [tilespmem:s22+$0xFFFFFFE0]  }
0x157: {  	v6 =	vld [tilespmem:s20+$0xFFFFFFE0]  }
0x158: {  	v7 =	vld [tilespmem:s22+$0xFFFFFFF0]  }
0x159: {  	v8 =	vld [tilespmem:s20+$0xFFFFFFF0]  }
0x15a: {  	v2 =	vmul.f32 v2, v3;
	v1 =	vmul.f32 v4, v1;
	v3 =	vld [tilespmem:s22+$0x0]  }
0x15b: {  	v4 =	vld [tilespmem:s20+$0x0]  }
0x15c: {  	v1 =	vadd.f32 v2, v1;
	v2 =	vmul.f32 v5, v6;
	v5 =	vld [tilespmem:s22+$0x10]  }
0x15d: {  	v6 =	vld [tilespmem:s20+$0x10]  }
0x15e: {  	v1 =	vadd.f32 v2, v1;
	v2 =	vmul.f32 v7, v8;
	v7 =	vld [tilespmem:s22+$0x20]  }
0x15f: {  	v8 =	vld [tilespmem:s20+$0x20]  }
0x160: {  	v1 =	vadd.f32 v2, v1;
	v2 =	vmul.f32 v3, v4;
	v3 =	vld [tilespmem:s22+$0x30]  }
0x161: {  	v4 =	vld [tilespmem:s20+$0x30]  }
0x162: {  	s0 =	sadd.s32 $0x80, s20;
	v1 =	vadd.f32 v2, v1;
	v2 =	vmul.f32 v5, v6  }
0x163: {  	s5 =	sadd.s32 $0x80, s22;
	v5 =	vld [tilespmem:s0+$0xFFFFFFC0]  }
0x164: {  	v6 =	vld [tilespmem:s5+$0xFFFFFFD0];
	v1 =	vadd.f32 v2, v1;
	v2 =	vmul.f32 v7, v8  }
0x165: {  	v7 =	vld [tilespmem:s0+$0xFFFFFFD0]  }
0x166: {  	v8 =	vld [tilespmem:s5+$0xFFFFFFC0];
	v1 =	vadd.f32 v2, v1;
	v2 =	vmul.f32 v3, v4  }
0x167: {  	v3 =	vld [tilespmem:s5+$0xFFFFFFE0]  }
0x168: {  	v4 =	vld [tilespmem:s0+$0xFFFFFFE0];
	v1 =	vadd.f32 v2, v1  }
0x169: {  	v9 =	vld [tilespmem:s0+$0xFFFFFFF0]  }
0x16a: {  	v2 =	vld [tilespmem:s5+$0xFFFFFFF0];
	(v2sf) =	vpush v1, $0xF  }
0x16b: {  	v6 =	vmul.f32 v6, v7;
	v5 =	vmul.f32 v8, v5;
	v7 =	vld [tilespmem:s5+$0x0];
	(v2sf) =	vpush v1, $0xE  }
0x16c: {  	v8 =	vld [tilespmem:s0+$0x0];
	(v2sf) =	vpush v1, $0xB  }
0x16d: {  	v5 =	vadd.f32 v6, v5;
	v3 =	vmul.f32 v3, v4;
	v4 =	vld [tilespmem:s5+$0x10];
	(v2sf) =	vpush v1, $0x7  }
0x16e: {  	v6 =	vld [tilespmem:s0+$0x10];
	(v2sf) =	vpush v1, $0x6  }
0x16f: {  	v3 =	vadd.f32 v3, v5;
	v2 =	vmul.f32 v2, v9;
	v5 =	vld [tilespmem:s5+$0x20];
	(v2sf) =	vpush v1, $0x8  }
0x170: {  	v9 =	vld [tilespmem:s0+$0x20];
	(v2sf) =	vpush v1, $0x5  }
0x171: {  	v2 =	vadd.f32 v2, v3;
	v3 =	vmul.f32 v7, v8;
	v7 =	vld [tilespmem:s5+$0x30];
	(v2sf) =	vpush v1, $0x4  }
0x172: {  	v8 =	vld [tilespmem:s0+$0x30];
	(v2sf) =	vpush v1, $0x3  }
0x173: {  	s17 =	sadd.s32 $0x80, s0;
	v2 =	vadd.f32 v3, v2;
	v3 =	vmul.f32 v4, v6  }
0x174: {  	s19 =	sadd.s32 $0x80, s5;
	v4 =	vld [tilespmem:s17+$0xFFFFFFC0];
	(v2sf) =	vpush v1, $0xA  }
0x175: {  	v6 =	vld [tilespmem:s19+$0xFFFFFFD0];
	v2 =	vadd.f32 v3, v2;
	v3 =	vmul.f32 v5, v9;
	(v2sf) =	vpush v1, $0x9  }
0x176: {  	v5 =	vld [tilespmem:s17+$0xFFFFFFD0];
	(v2sf) =	vpush v1, $0xD  }
0x177: {  	v9 =	vld [tilespmem:s19+$0xFFFFFFC0];
	v2 =	vadd.f32 v3, v2;
	v3 =	vmul.f32 v7, v8;
	(v2sf) =	vpush v1, $0xC  }
0x178: {  	v7 =	vld [tilespmem:s19+$0xFFFFFFE0];
	(v2sf) =	vpush v1, $0x0  }
0x179: {  	v8 =	vld [tilespmem:s17+$0xFFFFFFE0];
	v2 =	vadd.f32 v3, v2;
	(v2sf) =	vpush v1, $0x1;
	s25 =	spop (v2sf)  }
0x17a: {  	v10 =	vld [tilespmem:s19+$0xFFFFFFF0];
	(v2sf) =	vpush v1, $0x2;
	s7 =	spop (v2sf)  }
0x17b: {  	v11 =	vld [tilespmem:s17+$0xFFFFFFF0];
	(v2sf) =	vpush v2, $0xF;
	s23 =	spop (v2sf)  }
0x17c: {  	v3 =	vld [tilespmem:s19+$0x0];
	(v2sf) =	vpush v2, $0xE;
	s9 =	spop (v2sf)  }
0x17d: {  	v4 =	vmul.f32 v9, v4;
	v1 =	vmul.f32 v6, v5;
	v5 =	vld [tilespmem:s17+$0x0];
	(v2sf) =	vpush v2, $0xB;
	s8 =	spop (v2sf)  }
0x17e: {  	s24 =	simm.s32 $0x1;
	v6 =	vmul.f32 v7, v8;
	v7 =	vld [tilespmem:s17+$0x10];
	(v2sf) =	vpush v2, $0x7;
	s28 =	spop (v2sf)  }
0x17f: {  	s26 =	simm.s32 $0x2;
	v8 =	vld [tilespmem:s17+$0x20];
	v1 =	vadd.f32 v1, v4;
	s25 =	sadd.f32 s25, s7;
	(v2sf) =	vpush v2, $0x6;
	s10 =	spop (v2sf)  }
0x180: {  	s21 =	simm.s32 $0x3;
	v10 =	vmul.f32 v10, v11;
	v4 =	vld [tilespmem:s19+$0x10];
	s0 =	sadd.f32 s9, s8;
	(v2sf) =	vpush v2, $0x8;
	s15 =	spop (v2sf)  }
0x181: {  	v9 =	vadd.f32 v6, v1;
	v6 =	vld [tilespmem:s19+$0x20];
	v1 =	vimm.f32 $0.0e+00;
	(v2sf) =	vpush v2, $0x5;
	s7 =	sadd.f32 s10, s15;
	s29 =	spop (v2sf);
	s15 =	simm.s32 $0x0  }
.LBB2_11:
0x182: {  	p0 =	sne.s32 s21, $0xF  }
0x183: {  	v9 =	vadd.f32 v10, v9;
	v3 =	vmul.f32 v3, v5;
	v5 =	vld [tilespmem:s19+$0x30];
	(v2sf) =	vpush v2, $0x4;
	s8 =	spop (v2sf);
	s5 =	smov.u32 s21;
	s21 =	sadd.s32 $0x1, s21  }
0x184: {  	v10 =	vld [tilespmem:s17+$0x30];
	(v2sf) =	vpush v2, $0x3;
	s9 =	spop (v2sf)  }
0x185: {  	s17 =	sadd.s32 $0x80, s17;
	s8 =	sadd.f32 s23, s8;
	v3 =	vadd.f32 v3, v9;
	v4 =	vmul.f32 v4, v7;
	(v2sf) =	vpush v2, $0xA;
	s10 =	spop (v2sf)  }
0x186: {  	s19 =	sadd.s32 $0x80, s19;
	s0 =	sadd.f32 s0, s7;
	v7 =	vld [tilespmem:s17+$0xFFFFFFC0];
	(v2sf) =	vpush v2, $0x9;
	s7 =	spop (v2sf)  }
0x187: {  	s9 =	sadd.f32 s9, s28;
	v9 =	vld [tilespmem:s19+$0xFFFFFFD0];
	v3 =	vadd.f32 v4, v3;
	v4 =	vmul.f32 v6, v8;
	(v2sf) =	vpush v2, $0xD;
	s23 =	spop (v2sf)  }
0x188: {  	s7 =	sadd.f32 s10, s7;
	s10 =	spop (v2sf)  }
0x189: {  	v6 =	vld [tilespmem:s17+$0xFFFFFFD0];
	(v2sf) =	vpush v2, $0xC;
	s10 =	sadd.f32 s10, s23  }
0x18a: {  	v8 =	vld [tilespmem:s19+$0xFFFFFFC0];
	v3 =	vadd.f32 v4, v3;
	v4 =	vmul.f32 v5, v10;
	(v2sf) =	vpush v2, $0x0;
	s23 =	spop (v2sf);
	s7 =	sadd.f32 s25, s7  }
0x18b: {  	v10 =	vld [tilespmem:s19+$0xFFFFFFE0];
	(v2sf) =	vpush v2, $0x1;
	s28 =	sadd.f32 s29, s23  }
0x18c: {  	s8 =	sadd.f32 s8, s9;
	v11 =	vld [tilespmem:s17+$0xFFFFFFE0];
	(v2sf) =	vpush v2, $0x2;
	v2 =	vadd.f32 v4, v3;
	s25 =	spop (v2sf)  }
0x18d: {  	v12 =	vld [tilespmem:s19+$0xFFFFFFF0];
	s29 =	spop (v2sf);
	s9 =	sadd.f32 s28, s10  }
0x18e: {  	s7 =	sadd.f32 s7, s8;
	v4 =	vmul.f32 v9, v6;
	v6 =	vld [tilespmem:s17+$0xFFFFFFF0];
	(v2sf) =	vpush v2, $0xF;
	s23 =	spop (v2sf)  }
0x18f: {  	v7 =	vmul.f32 v8, v7;
	v3 =	vld [tilespmem:s19+$0x0];
	(v2sf) =	vpush v2, $0xE;
	s10 =	spop (v2sf);
	s9 =	sadd.f32 s0, s9  }
.Ltmp4:
0x190: {  	v8 =	vmov s15;
	v5 =	vld [tilespmem:s17+$0x0];
	(v2sf) =	vpush v2, $0xB;
	s8 =	spop (v2sf);
	(pc) =	sbr.rel @p0 .LBB2_11-.Ltmp4, $4  }
0x191: {  	s15 =	smov.u32 s24;
	v9 =	vadd.f32 v4, v7;
	v10 =	vmul.f32 v10, v11;
	v4 =	vld [tilespmem:s19+$0x10];
	(v2sf) =	vpush v2, $0x7;
	s0 =	sadd.f32 s10, s8;
	s28 =	spop (v2sf)  }
0x192: {  	s24 =	smov.u32 s26;
	vm0 =	veq.s32 v8, v0;
	s9 =	sadd.f32 s7, s9;
	v7 =	vld [tilespmem:s17+$0x10];
	(v2sf) =	vpush v2, $0x6;
	s8 =	spop (v2sf)  }
0x193: {  	s25 =	sadd.f32 s25, s29;
	s26 =	smov.u32 s5;
	v9 =	vadd.f32 v10, v9;
	v10 =	vmul.f32 v12, v6;
	v6 =	vld [tilespmem:s19+$0x20];
	(v2sf) =	vpush v2, $0x8;
	s7 =	spop (v2sf)  }
0x194: {  	v1 =	vsel vm0, s9, v1;
	v8 =	vld [tilespmem:s17+$0x20];
	(v2sf) =	vpush v2, $0x5;
	s7 =	sadd.f32 s8, s7;
	s29 =	spop (v2sf)  }
0x195: {  	v9 =	vadd.f32 v10, v9;
	v3 =	vmul.f32 v3, v5;
	v59 =	vld [tilespmem:s19+$0x30]  }
0x196: {  	(v2sf) =	vpush v2, $0x4;
	v60 =	vld [tilespmem:s17+$0x30]  }
0x197: {  	s5 =	spop (v2sf);
	(v2sf) =	vpush v2, $0x3;
	v3 =	vadd.f32 v3, v9;
	v4 =	vmul.f32 v4, v7  }
0x198: {  	s8 =	spop (v2sf);
	(v2sf) =	vpush v2, $0xA  }
0x199: {  	s9 =	spop (v2sf);
	(v2sf) =	vpush v2, $0x9;
	v3 =	vadd.f32 v4, v3;
	v61 =	vmul.f32 v6, v8  }
0x19a: {  	s10 =	spop (v2sf);
	(v2sf) =	vpush v2, $0xD  }
0x19b: {  	s5 =	sadd.f32 s23, s5;
	s17 =	spop (v2sf);
	(v2sf) =	vpush v2, $0xC;
	v62 =	vmul.f32 v59, v60;
	v3 =	vadd.f32 v61, v3  }
0x19c: {  	s0 =	sadd.f32 s0, s7;
	s19 =	spop (v2sf);
	(v2sf) =	vpush v2, $0x0  }
0x19d: {  	s8 =	sadd.f32 s8, s28;
	s23 =	spop (v2sf);
	(v2sf) =	vpush v2, $0x1;
	v3 =	vadd.f32 v62, v3  }
0x19e: {  	s9 =	sadd.f32 s9, s10;
	(v2sf) =	vpush v2, $0x2;
	s21 =	spop (v2sf)  }
0x19f: {  	s5 =	sadd.f32 s5, s8;
	s10 =	spop (v2sf);
	(v2sf) =	vpush v3, $0xF  }
0x1a0: {  	s17 =	sadd.f32 s19, s17;
	s19 =	spop (v2sf);
	(v2sf) =	vpush v3, $0xE  }
0x1a1: {  	s9 =	sadd.f32 s25, s9;
	s28 =	spop (v2sf);
	(v2sf) =	vpush v3, $0xB  }
0x1a2: {  	s7 =	sadd.f32 s29, s23;
	s29 =	spop (v2sf);
	(v2sf) =	vpush v3, $0x7  }
0x1a3: {  	s5 =	sadd.f32 s9, s5;
	s8 =	spop (v2sf);
	(v2sf) =	vpush v3, $0x6  }
0x1a4: {  	s7 =	sadd.f32 s7, s17;
	s17 =	spop (v2sf);
	(v2sf) =	vpush v3, $0x8  }
0x1a5: {  	s10 =	sadd.f32 s21, s10;
	s9 =	spop (v2sf);
	(v2sf) =	vpush v3, $0x5  }
0x1a6: {  	s0 =	sadd.f32 s0, s7;
	s7 =	spop (v2sf);
	(v2sf) =	vpush v3, $0x4  }
0x1a7: {  	s23 =	sadd.f32 s28, s29;
	s28 =	spop (v2sf);
	(v2sf) =	vpush v3, $0x3  }
0x1a8: {  	s0 =	sadd.f32 s5, s0;
	s29 =	spop (v2sf);
	(v2sf) =	vpush v3, $0xA  }
0x1a9: {  	s9 =	sadd.f32 s17, s9;
	s21 =	spop (v2sf);
	(v2sf) =	vpush v3, $0x9  }
0x1aa: {  	s19 =	sadd.f32 s19, s28;
	s17 =	spop (v2sf);
	(v2sf) =	vpush v3, $0xD  }
0x1ab: {  	s9 =	sadd.f32 s23, s9;
	s25 =	spop (v2sf);
	(v2sf) =	vpush v3, $0xC  }
0x1ac: {  	s5 =	sadd.f32 s29, s8;
	s28 =	spop (v2sf);
	(v2sf) =	vpush v3, $0x0  }
0x1ad: {  	s17 =	sadd.f32 s21, s17;
	s29 =	spop (v2sf);
	(v2sf) =	vpush v3, $0x1  }
0x1ae: {  	s5 =	sadd.f32 s19, s5;
	s21 =	spop (v2sf);
	(v2sf) =	vpush v3, $0x2  }
0x1af: {  	s23 =	sadd.f32 s28, s25;
	s25 =	spop (v2sf)  }
0x1b0: {  	s10 =	sadd.f32 s10, s17;
	s17 =	spop (v2sf)  }
0x1b1: {  	s7 =	sadd.f32 s7, s29;
	s8 =	spop (v2sf)  }
0x1b2: {  	s5 =	sadd.f32 s10, s5;
	s28 =	spop (v2sf)  }
0x1b3: {  	s7 =	sadd.f32 s7, s23;
	s23 =	spop (v2sf)  }
0x1b4: {  	s21 =	sadd.f32 s21, s25;
	s10 =	spop (v2sf)  }
0x1b5: {  	s7 =	sadd.f32 s9, s7;
	s29 =	spop (v2sf)  }
0x1b6: {  	s8 =	sadd.f32 s8, s28;
	s19 =	spop (v2sf)  }
0x1b7: {  	s9 =	sadd.f32 s10, s29;
	s28 =	spop (v2sf)  }
0x1b8: {  	s29 =	spop (v2sf);
	s17 =	sadd.f32 s17, s28  }
0x1b9: {  	s8 =	sadd.f32 s8, s9;
	s25 =	spop (v2sf)  }
0x1ba: {  	s10 =	sadd.f32 s29, s23;
	s28 =	spop (v2sf)  }
0x1bb: {  	s29 =	spop (v2sf);
	s9 =	sadd.f32 s25, s28  }
0x1bc: {  	s10 =	sadd.f32 s17, s10;
	s28 =	spop (v2sf)  }
0x1bd: {  	s23 =	sadd.f32 s28, s29;
	s29 =	spop (v2sf)  }
0x1be: {  	s19 =	sadd.f32 s19, s29  }
0x1bf: {  	s9 =	sadd.f32 s21, s9  }
0x1c0: {  	s25 =	sadd.f32 s19, s23  }
0x1c1: {  	s28 =	sshll.u32 s18, $0x4;
	s9 =	sadd.f32 s9, s10  }
0x1c2: {  	v2 =	vmov s15;
	v3 =	vld [tilespmem:s28+$0x10500];
	s8 =	sadd.f32 s8, s25  }
0x1c3: {  	vm0 =	veq.s32 v2, v0;
	v2 =	vmov s24;
	s5 =	sadd.f32 s5, s7  }
0x1c4: {  	vm14 =	veq.s32 v2, v0;
	v2 =	vmov s26;
	v1 =	vsel vm0, s0, v1;
	v63 =	vld [tilespmem:s28+$0x10700];
	s29 =	sadd.f32 s9, s8  }
0x1c5: {  	vm15 =	veq.s32 v2, v0;
	v1 =	vsel vm14, s5, v1;
	s18 =	sadd.s32 $0x1, s18  }
0x1c6: {  	p0 =	sne.s32 s18, $0x8;
	v1 =	vsel vm15, s29, v1  }
.Ltmp5:
0x1c7: {  	v1 =	vadd.f32 v3, v1;
	(pc) =	sbr.rel @p0 .LBB2_10-.Ltmp5, $3  }
0x1c8: {  	_ = 	snop  }
0x1c9: {  	v1 =	vadd.f32 v63, v1;
	_ =	sdelay $0x1  }
0x1ca: {  	s20 =	sadd.s32 $0x800, s20;
	s22 =	sadd.s32 $0x800, s22;
	[tilespmem:s28+$0x10900] =	vst v1  }
0x1cb: {  	_ =	swait.ge [sflag:s14], $0x4000  }
0x1cc: {  	[sflag:s14] =	ssyncset.done $0x0  }
0x1cd: {  	[sflag:s14] =	ssyncadd.s32 $0xFFFFC000  }
0x1ce: {  	_ =	swait.ge [sflag:s14], $0x4000  }
0x1cf: {  	s18 =	simm.s32 $0x0;
	[sflag:s14] =	ssyncset.done $0x0  }
0x1d0: {  	s20 =	simm.s32 $0x4440;
	s22 =	simm.s32 $0xC440;
	[sflag:s14] =	ssyncadd.s32 $0xFFFFC000  }
.LBB2_14:
0x1d1: {  	v1 =	vld [tilespmem:s20+$0xFFFFFFC0]  }
0x1d2: {  	v2 =	vld [tilespmem:s22+$0xFFFFFFD0]  }
0x1d3: {  	v3 =	vld [tilespmem:s20+$0xFFFFFFD0]  }
0x1d4: {  	v4 =	vld [tilespmem:s22+$0xFFFFFFC0]  }
0x1d5: {  	v5 =	vld [tilespmem:s22+$0xFFFFFFE0]  }
0x1d6: {  	v6 =	vld [tilespmem:s20+$0xFFFFFFE0]  }
0x1d7: {  	v7 =	vld [tilespmem:s22+$0xFFFFFFF0]  }
0x1d8: {  	v8 =	vld [tilespmem:s20+$0xFFFFFFF0]  }
0x1d9: {  	v2 =	vmul.f32 v2, v3;
	v1 =	vmul.f32 v4, v1;
	v3 =	vld [tilespmem:s22+$0x0]  }
0x1da: {  	v4 =	vld [tilespmem:s20+$0x0]  }
0x1db: {  	v1 =	vadd.f32 v2, v1;
	v2 =	vmul.f32 v5, v6;
	v5 =	vld [tilespmem:s22+$0x10]  }
0x1dc: {  	v6 =	vld [tilespmem:s20+$0x10]  }
0x1dd: {  	v1 =	vadd.f32 v2, v1;
	v2 =	vmul.f32 v7, v8;
	v7 =	vld [tilespmem:s22+$0x20]  }
0x1de: {  	v8 =	vld [tilespmem:s20+$0x20]  }
0x1df: {  	v1 =	vadd.f32 v2, v1;
	v2 =	vmul.f32 v3, v4;
	v3 =	vld [tilespmem:s22+$0x30]  }
0x1e0: {  	v4 =	vld [tilespmem:s20+$0x30]  }
0x1e1: {  	s0 =	sadd.s32 $0x80, s20;
	v1 =	vadd.f32 v2, v1;
	v2 =	vmul.f32 v5, v6  }
0x1e2: {  	s5 =	sadd.s32 $0x80, s22;
	v5 =	vld [tilespmem:s0+$0xFFFFFFC0]  }
0x1e3: {  	v6 =	vld [tilespmem:s5+$0xFFFFFFD0];
	v1 =	vadd.f32 v2, v1;
	v2 =	vmul.f32 v7, v8  }
0x1e4: {  	v7 =	vld [tilespmem:s0+$0xFFFFFFD0]  }
0x1e5: {  	v8 =	vld [tilespmem:s5+$0xFFFFFFC0];
	v1 =	vadd.f32 v2, v1;
	v2 =	vmul.f32 v3, v4  }
0x1e6: {  	v3 =	vld [tilespmem:s5+$0xFFFFFFE0]  }
0x1e7: {  	v4 =	vld [tilespmem:s0+$0xFFFFFFE0];
	v1 =	vadd.f32 v2, v1  }
0x1e8: {  	v9 =	vld [tilespmem:s0+$0xFFFFFFF0]  }
0x1e9: {  	v2 =	vld [tilespmem:s5+$0xFFFFFFF0];
	(v2sf) =	vpush v1, $0xF  }
0x1ea: {  	v6 =	vmul.f32 v6, v7;
	v5 =	vmul.f32 v8, v5;
	v7 =	vld [tilespmem:s5+$0x0];
	(v2sf) =	vpush v1, $0xE  }
0x1eb: {  	v8 =	vld [tilespmem:s0+$0x0];
	(v2sf) =	vpush v1, $0xB  }
0x1ec: {  	v5 =	vadd.f32 v6, v5;
	v3 =	vmul.f32 v3, v4;
	v4 =	vld [tilespmem:s5+$0x10];
	(v2sf) =	vpush v1, $0x7  }
0x1ed: {  	v6 =	vld [tilespmem:s0+$0x10];
	(v2sf) =	vpush v1, $0x6  }
0x1ee: {  	v3 =	vadd.f32 v3, v5;
	v2 =	vmul.f32 v2, v9;
	v5 =	vld [tilespmem:s5+$0x20];
	(v2sf) =	vpush v1, $0x8  }
0x1ef: {  	v9 =	vld [tilespmem:s0+$0x20];
	(v2sf) =	vpush v1, $0x5  }
0x1f0: {  	v2 =	vadd.f32 v2, v3;
	v3 =	vmul.f32 v7, v8;
	v7 =	vld [tilespmem:s5+$0x30];
	(v2sf) =	vpush v1, $0x4  }
0x1f1: {  	v8 =	vld [tilespmem:s0+$0x30];
	(v2sf) =	vpush v1, $0x3  }
0x1f2: {  	s17 =	sadd.s32 $0x80, s0;
	v2 =	vadd.f32 v3, v2;
	v3 =	vmul.f32 v4, v6  }
0x1f3: {  	s19 =	sadd.s32 $0x80, s5;
	v4 =	vld [tilespmem:s17+$0xFFFFFFC0];
	(v2sf) =	vpush v1, $0xA  }
0x1f4: {  	v6 =	vld [tilespmem:s19+$0xFFFFFFD0];
	v2 =	vadd.f32 v3, v2;
	v3 =	vmul.f32 v5, v9;
	(v2sf) =	vpush v1, $0x9  }
0x1f5: {  	v5 =	vld [tilespmem:s17+$0xFFFFFFD0];
	(v2sf) =	vpush v1, $0xD  }
0x1f6: {  	v9 =	vld [tilespmem:s19+$0xFFFFFFC0];
	v2 =	vadd.f32 v3, v2;
	v3 =	vmul.f32 v7, v8;
	(v2sf) =	vpush v1, $0xC  }
0x1f7: {  	v7 =	vld [tilespmem:s19+$0xFFFFFFE0];
	(v2sf) =	vpush v1, $0x0  }
0x1f8: {  	v8 =	vld [tilespmem:s17+$0xFFFFFFE0];
	v2 =	vadd.f32 v3, v2;
	(v2sf) =	vpush v1, $0x1;
	s25 =	spop (v2sf)  }
0x1f9: {  	v10 =	vld [tilespmem:s19+$0xFFFFFFF0];
	(v2sf) =	vpush v1, $0x2;
	s7 =	spop (v2sf)  }
0x1fa: {  	v11 =	vld [tilespmem:s17+$0xFFFFFFF0];
	(v2sf) =	vpush v2, $0xF;
	s23 =	spop (v2sf)  }
0x1fb: {  	v3 =	vld [tilespmem:s19+$0x0];
	(v2sf) =	vpush v2, $0xE;
	s9 =	spop (v2sf)  }
0x1fc: {  	v4 =	vmul.f32 v9, v4;
	v1 =	vmul.f32 v6, v5;
	v5 =	vld [tilespmem:s17+$0x0];
	(v2sf) =	vpush v2, $0xB;
	s8 =	spop (v2sf)  }
0x1fd: {  	s24 =	simm.s32 $0x1;
	v6 =	vmul.f32 v7, v8;
	v7 =	vld [tilespmem:s17+$0x10];
	(v2sf) =	vpush v2, $0x7;
	s28 =	spop (v2sf)  }
0x1fe: {  	s26 =	simm.s32 $0x2;
	v8 =	vld [tilespmem:s17+$0x20];
	v1 =	vadd.f32 v1, v4;
	s25 =	sadd.f32 s25, s7;
	(v2sf) =	vpush v2, $0x6;
	s10 =	spop (v2sf)  }
0x1ff: {  	s21 =	simm.s32 $0x3;
	v10 =	vmul.f32 v10, v11;
	v4 =	vld [tilespmem:s19+$0x10];
	s0 =	sadd.f32 s9, s8;
	(v2sf) =	vpush v2, $0x8;
	s15 =	spop (v2sf)  }
0x200: {  	v9 =	vadd.f32 v6, v1;
	v6 =	vld [tilespmem:s19+$0x20];
	v1 =	vimm.f32 $0.0e+00;
	(v2sf) =	vpush v2, $0x5;
	s7 =	sadd.f32 s10, s15;
	s29 =	spop (v2sf);
	s15 =	simm.s32 $0x0  }
.LBB2_15:
0x201: {  	p0 =	sne.s32 s21, $0xF  }
0x202: {  	v9 =	vadd.f32 v10, v9;
	v3 =	vmul.f32 v3, v5;
	v5 =	vld [tilespmem:s19+$0x30];
	(v2sf) =	vpush v2, $0x4;
	s8 =	spop (v2sf);
	s5 =	smov.u32 s21;
	s21 =	sadd.s32 $0x1, s21  }
0x203: {  	v10 =	vld [tilespmem:s17+$0x30];
	(v2sf) =	vpush v2, $0x3;
	s9 =	spop (v2sf)  }
0x204: {  	s17 =	sadd.s32 $0x80, s17;
	s8 =	sadd.f32 s23, s8;
	v3 =	vadd.f32 v3, v9;
	v4 =	vmul.f32 v4, v7;
	(v2sf) =	vpush v2, $0xA;
	s10 =	spop (v2sf)  }
0x205: {  	s19 =	sadd.s32 $0x80, s19;
	s0 =	sadd.f32 s0, s7;
	v7 =	vld [tilespmem:s17+$0xFFFFFFC0];
	(v2sf) =	vpush v2, $0x9;
	s7 =	spop (v2sf)  }
0x206: {  	s9 =	sadd.f32 s9, s28;
	v9 =	vld [tilespmem:s19+$0xFFFFFFD0];
	v3 =	vadd.f32 v4, v3;
	v4 =	vmul.f32 v6, v8;
	(v2sf) =	vpush v2, $0xD;
	s23 =	spop (v2sf)  }
0x207: {  	s7 =	sadd.f32 s10, s7;
	s10 =	spop (v2sf)  }
0x208: {  	v6 =	vld [tilespmem:s17+$0xFFFFFFD0];
	(v2sf) =	vpush v2, $0xC;
	s10 =	sadd.f32 s10, s23  }
0x209: {  	v8 =	vld [tilespmem:s19+$0xFFFFFFC0];
	v3 =	vadd.f32 v4, v3;
	v4 =	vmul.f32 v5, v10;
	(v2sf) =	vpush v2, $0x0;
	s23 =	spop (v2sf);
	s7 =	sadd.f32 s25, s7  }
0x20a: {  	v10 =	vld [tilespmem:s19+$0xFFFFFFE0];
	(v2sf) =	vpush v2, $0x1;
	s28 =	sadd.f32 s29, s23  }
0x20b: {  	s8 =	sadd.f32 s8, s9;
	v11 =	vld [tilespmem:s17+$0xFFFFFFE0];
	(v2sf) =	vpush v2, $0x2;
	v2 =	vadd.f32 v4, v3;
	s25 =	spop (v2sf)  }
0x20c: {  	v12 =	vld [tilespmem:s19+$0xFFFFFFF0];
	s29 =	spop (v2sf);
	s9 =	sadd.f32 s28, s10  }
0x20d: {  	s7 =	sadd.f32 s7, s8;
	v4 =	vmul.f32 v9, v6;
	v6 =	vld [tilespmem:s17+$0xFFFFFFF0];
	(v2sf) =	vpush v2, $0xF;
	s23 =	spop (v2sf)  }
0x20e: {  	v7 =	vmul.f32 v8, v7;
	v3 =	vld [tilespmem:s19+$0x0];
	(v2sf) =	vpush v2, $0xE;
	s10 =	spop (v2sf);
	s9 =	sadd.f32 s0, s9  }
.Ltmp6:
0x20f: {  	v8 =	vmov s15;
	v5 =	vld [tilespmem:s17+$0x0];
	(v2sf) =	vpush v2, $0xB;
	s8 =	spop (v2sf);
	(pc) =	sbr.rel @p0 .LBB2_15-.Ltmp6, $4  }
0x210: {  	s15 =	smov.u32 s24;
	v9 =	vadd.f32 v4, v7;
	v10 =	vmul.f32 v10, v11;
	v4 =	vld [tilespmem:s19+$0x10];
	(v2sf) =	vpush v2, $0x7;
	s0 =	sadd.f32 s10, s8;
	s28 =	spop (v2sf)  }
0x211: {  	s24 =	smov.u32 s26;
	vm0 =	veq.s32 v8, v0;
	s9 =	sadd.f32 s7, s9;
	v7 =	vld [tilespmem:s17+$0x10];
	(v2sf) =	vpush v2, $0x6;
	s8 =	spop (v2sf)  }
0x212: {  	s25 =	sadd.f32 s25, s29;
	s26 =	smov.u32 s5;
	v9 =	vadd.f32 v10, v9;
	v10 =	vmul.f32 v12, v6;
	v6 =	vld [tilespmem:s19+$0x20];
	(v2sf) =	vpush v2, $0x8;
	s7 =	spop (v2sf)  }
0x213: {  	v1 =	vsel vm0, s9, v1;
	v8 =	vld [tilespmem:s17+$0x20];
	(v2sf) =	vpush v2, $0x5;
	s7 =	sadd.f32 s8, s7;
	s29 =	spop (v2sf)  }
0x214: {  	v9 =	vadd.f32 v10, v9;
	v3 =	vmul.f32 v3, v5;
	v59 =	vld [tilespmem:s19+$0x30]  }
0x215: {  	(v2sf) =	vpush v2, $0x4;
	v60 =	vld [tilespmem:s17+$0x30]  }
0x216: {  	s5 =	spop (v2sf);
	(v2sf) =	vpush v2, $0x3;
	v3 =	vadd.f32 v3, v9;
	v4 =	vmul.f32 v4, v7  }
0x217: {  	s8 =	spop (v2sf);
	(v2sf) =	vpush v2, $0xA  }
0x218: {  	s9 =	spop (v2sf);
	(v2sf) =	vpush v2, $0x9;
	v3 =	vadd.f32 v4, v3;
	v61 =	vmul.f32 v6, v8  }
0x219: {  	s10 =	spop (v2sf);
	(v2sf) =	vpush v2, $0xD  }
0x21a: {  	s5 =	sadd.f32 s23, s5;
	s17 =	spop (v2sf);
	(v2sf) =	vpush v2, $0xC;
	v62 =	vmul.f32 v59, v60;
	v3 =	vadd.f32 v61, v3  }
0x21b: {  	s0 =	sadd.f32 s0, s7;
	s19 =	spop (v2sf);
	(v2sf) =	vpush v2, $0x0  }
0x21c: {  	s8 =	sadd.f32 s8, s28;
	s23 =	spop (v2sf);
	(v2sf) =	vpush v2, $0x1;
	v3 =	vadd.f32 v62, v3  }
0x21d: {  	s9 =	sadd.f32 s9, s10;
	(v2sf) =	vpush v2, $0x2;
	s21 =	spop (v2sf)  }
0x21e: {  	s5 =	sadd.f32 s5, s8;
	s10 =	spop (v2sf);
	(v2sf) =	vpush v3, $0xF  }
0x21f: {  	s17 =	sadd.f32 s19, s17;
	s19 =	spop (v2sf);
	(v2sf) =	vpush v3, $0xE  }
0x220: {  	s9 =	sadd.f32 s25, s9;
	s28 =	spop (v2sf);
	(v2sf) =	vpush v3, $0xB  }
0x221: {  	s7 =	sadd.f32 s29, s23;
	s29 =	spop (v2sf);
	(v2sf) =	vpush v3, $0x7  }
0x222: {  	s5 =	sadd.f32 s9, s5;
	s8 =	spop (v2sf);
	(v2sf) =	vpush v3, $0x6  }
0x223: {  	s7 =	sadd.f32 s7, s17;
	s17 =	spop (v2sf);
	(v2sf) =	vpush v3, $0x8  }
0x224: {  	s10 =	sadd.f32 s21, s10;
	s9 =	spop (v2sf);
	(v2sf) =	vpush v3, $0x5  }
0x225: {  	s0 =	sadd.f32 s0, s7;
	s7 =	spop (v2sf);
	(v2sf) =	vpush v3, $0x4  }
0x226: {  	s23 =	sadd.f32 s28, s29;
	s28 =	spop (v2sf);
	(v2sf) =	vpush v3, $0x3  }
0x227: {  	s0 =	sadd.f32 s5, s0;
	s29 =	spop (v2sf);
	(v2sf) =	vpush v3, $0xA  }
0x228: {  	s9 =	sadd.f32 s17, s9;
	s21 =	spop (v2sf);
	(v2sf) =	vpush v3, $0x9  }
0x229: {  	s19 =	sadd.f32 s19, s28;
	s17 =	spop (v2sf);
	(v2sf) =	vpush v3, $0xD  }
0x22a: {  	s9 =	sadd.f32 s23, s9;
	s25 =	spop (v2sf);
	(v2sf) =	vpush v3, $0xC  }
0x22b: {  	s5 =	sadd.f32 s29, s8;
	s28 =	spop (v2sf);
	(v2sf) =	vpush v3, $0x0  }
0x22c: {  	s17 =	sadd.f32 s21, s17;
	s29 =	spop (v2sf);
	(v2sf) =	vpush v3, $0x1  }
0x22d: {  	s5 =	sadd.f32 s19, s5;
	s21 =	spop (v2sf);
	(v2sf) =	vpush v3, $0x2  }
0x22e: {  	s23 =	sadd.f32 s28, s25;
	s25 =	spop (v2sf)  }
0x22f: {  	s10 =	sadd.f32 s10, s17;
	s17 =	spop (v2sf)  }
0x230: {  	s7 =	sadd.f32 s7, s29;
	s8 =	spop (v2sf)  }
0x231: {  	s5 =	sadd.f32 s10, s5;
	s28 =	spop (v2sf)  }
0x232: {  	s7 =	sadd.f32 s7, s23;
	s23 =	spop (v2sf)  }
0x233: {  	s21 =	sadd.f32 s21, s25;
	s10 =	spop (v2sf)  }
0x234: {  	s7 =	sadd.f32 s9, s7;
	s29 =	spop (v2sf)  }
0x235: {  	s8 =	sadd.f32 s8, s28;
	s19 =	spop (v2sf)  }
0x236: {  	s9 =	sadd.f32 s10, s29;
	s28 =	spop (v2sf)  }
0x237: {  	s29 =	spop (v2sf);
	s17 =	sadd.f32 s17, s28  }
0x238: {  	s8 =	sadd.f32 s8, s9;
	s25 =	spop (v2sf)  }
0x239: {  	s10 =	sadd.f32 s29, s23;
	s28 =	spop (v2sf)  }
0x23a: {  	s29 =	spop (v2sf);
	s9 =	sadd.f32 s25, s28  }
0x23b: {  	s10 =	sadd.f32 s17, s10;
	s28 =	spop (v2sf)  }
0x23c: {  	s23 =	sadd.f32 s28, s29;
	s29 =	spop (v2sf)  }
0x23d: {  	s19 =	sadd.f32 s19, s29  }
0x23e: {  	s9 =	sadd.f32 s21, s9  }
0x23f: {  	s25 =	sadd.f32 s19, s23  }
0x240: {  	s28 =	sshll.u32 s18, $0x4;
	s9 =	sadd.f32 s9, s10  }
0x241: {  	v2 =	vmov s15;
	v3 =	vld [tilespmem:s28+$0x10580];
	s8 =	sadd.f32 s8, s25  }
0x242: {  	vm0 =	veq.s32 v2, v0;
	v2 =	vmov s24;
	s5 =	sadd.f32 s5, s7  }
0x243: {  	vm14 =	veq.s32 v2, v0;
	v2 =	vmov s26;
	v1 =	vsel vm0, s0, v1;
	v63 =	vld [tilespmem:s28+$0x10780];
	s29 =	sadd.f32 s9, s8  }
0x244: {  	vm15 =	veq.s32 v2, v0;
	v1 =	vsel vm14, s5, v1;
	s18 =	sadd.s32 $0x1, s18  }
0x245: {  	p0 =	sne.s32 s18, $0x8;
	v1 =	vsel vm15, s29, v1  }
.Ltmp7:
0x246: {  	v1 =	vadd.f32 v3, v1;
	(pc) =	sbr.rel @p0 .LBB2_14-.Ltmp7, $3  }
0x247: {  	_ = 	snop  }
0x248: {  	v1 =	vadd.f32 v63, v1;
	_ =	sdelay $0x1  }
0x249: {  	s20 =	sadd.s32 $0x800, s20;
	s22 =	sadd.s32 $0x800, s22;
	[tilespmem:s28+$0x10980] =	vst v1  }
0x24a: {  	s0 =	rddreg [dreg:$0xa];
	s5 =	simm.s32 $0x10800  }
0x24b: {  	[hbm4b:s0+s6] =	stream.linear.scatter [tilespmem:s5], [sflag:$0x4], $0x200, $0x38;
	[tilespmem:$0x10A00] =	vst v63  }
0x24c: {  	_ =	swait.ge [sflag:s11], $0x200  }
0x24d: {  	s16 =	sadd.s32 $0x1, s16;
	s29 =	rddreg [dreg:$0xb]  }
0x24e: {  	p0 =	sne.s32 s16, s29  }
.Ltmp8:
0x24f: {  	_ = 	snop;
	(pc) =	sbr.rel @p0 .LBB2_1-.Ltmp8, $3  }
0x250: {  	_ =	sdelay $0x1  }
0x251: {  	[sflag:s11] =	ssyncset.done $0x0  }
0x252: {  	[sflag:s11] =	ssyncadd.s32 $0xFFFFFE00  }
0x253: {  	_ =	sfence.sel $0x180000  }
0x254: {  	[bflag:$0x0] =	sbarrier.arrive $0xFFFF  }
0x255: {  	_ =	strace $0x90000047  }
0x256: {  	s0 =	stileid.u32;
	[bflag:$0x2] =	sbarrier.arrive $0xFFFF  }
0x257: {  	p0 =	sne.s32 s0, $0x0;
	s0 =	rddreg [dreg:$0x7]  }
0x258: {  	s0 =	sadd.s32 @!p0 $0x100000, s0  }
0x259: {  	[sflag:s0] =	ssyncadd.tile.s32 @!p0 $0x1;
	_ =	shalt  }
.Lfunc_end2:
_tile_overlayer_lowered:
.L_overlay_start_2:
0x25a: {  	(tag) =	ssettag $0x2  }
0x25b: {  	s0 =	rddreg [dreg:$0x0];
	s2 =	stileid.u32  }
0x25c: {  	s1 =	rddreg [dreg:$0x1];
	p0 =	sne.s32 s2, $0x0  }
0x25d: {  	s3 =	rddreg [dreg:$0x2];
	[bflag:$0x3] =	sbarrier.arrive $0xFFFF;
	s2 =	simm.s32 @!p0 $0x1C04  }
0x25e: {  	[timem:s3], [sflag:s2] =	dma.local @!p0 [hbm:s0], s1  }
0x25f: {  	s0 =	simm.s32 @!p0 $0x4  }
0x260: {  	_ =	swait.ge @!p0 [sflag:s0], s1  }
0x261: {  	s1 =	ssub.s32 @!p0 $0x0, s1;
	[sflag:s0] =	ssyncset.done @!p0 $0x0  }
0x262: {  	[sflag:s0] =	ssyncadd.s32 @!p0 s1  }
0x263: {  	[bflag:$0x3] =	sbarrier.arrive $0xFFFF  }
0x264: {  	_ =	shalt  }

</sc_bundles>
